<compile_context>
chip_gen: v7x
topology: tpu7x:2x2x1
jax: 0.10.2.dev20260603
libtpu: 0.0.44.dev20260713+nightly
codegen_flags: <defaults>
</compile_context>

<pallas_src>
import functools

import jax
import jax.numpy as jnp
from jax import lax
from jax.experimental import pallas as pl
from jax.experimental.pallas import tpu as pltpu
from jax.experimental.pallas import tpu_sc as plsc

_BN = 256
_KB = 1024



def _argmin_body(cb_ref, zb_ref, d1_ref, d2_ref, tok_ref):
    k_total = cb_ref.shape[0]
    k_half = k_total // 2
    zb = zb_ref[...]
    d1 = d1_ref[...][0]
    half_m = []
    half_i = []
    for h in range(2):
        run_m = jnp.full((1, _BN), jnp.inf, jnp.float32)
        run_i = jnp.zeros((1, _BN), jnp.int32)
        for c in range(k_half // _KB):
            k0 = h * k_half + c * _KB
            cb = cb_ref[pl.ds(k0, _KB), :]
            d2 = d2_ref[0, 0, pl.ds(k0, _KB)]
            dT = lax.dot_general(cb, zb, (((1,), (1,)), ((), ())),
                                 preferred_element_type=jnp.float32)
            dist = (d1 + d2[:, None]) - 2.0 * dT
            m = jnp.min(dist, axis=0, keepdims=True)
            kio = lax.broadcasted_iota(jnp.int32, (_KB, _BN), 0) + k0
            idx = jnp.min(jnp.where(dist == m, kio, k_total),
                          axis=0, keepdims=True)
            upd = m < run_m
            run_i = jnp.where(upd, idx, run_i)
            run_m = jnp.where(upd, m, run_m)
        half_m.append(run_m)
        half_i.append(run_i)
    m0b = half_m[0].astype(jnp.bfloat16).astype(jnp.float32)
    upd = half_m[1] < m0b
    tok = jnp.where(upd, half_i[1], half_i[0])
    tok_ref[...] = tok.reshape(1, 1, _BN)


def _compute_tokens(z_flat, codebook):
    n, d = z_flat.shape
    k = codebook.shape[0]
    nb = n // _BN
    zb = z_flat.astype(jnp.bfloat16)
    d1 = jnp.sum(z_flat ** 2, axis=1).reshape(nb, 1, _BN)
    d2 = jnp.sum(codebook ** 2, axis=1).reshape(1, 1, k)
    tok = pl.pallas_call(
        _argmin_body,
        grid=(nb,),
        in_specs=[
            pl.BlockSpec((k, d), lambda i: (0, 0)),
            pl.BlockSpec((_BN, d), lambda i: (i, 0)),
            pl.BlockSpec((1, 1, _BN), lambda i: (i, 0, 0)),
            pl.BlockSpec((1, 1, k), lambda i: (0, 0, 0)),
        ],
        out_specs=pl.BlockSpec((1, 1, _BN), lambda i: (i, 0, 0)),
        out_shape=jax.ShapeDtypeStruct((nb, 1, _BN), jnp.int32),
    )(codebook, zb, d1, d2)
    return tok.reshape(n)



_SC_CHUNK = 128


def _make_sc_gather(k, d, n):
    info = plsc.get_sparse_core_info()
    nc, ns = info.num_cores, info.num_subcores
    nw = nc * ns
    b_per_w = n // nw
    chunks = b_per_w // _SC_CHUNK
    mesh = plsc.VectorSubcoreMesh(core_axis_name="c", subcore_axis_name="s")

    @functools.partial(
        pl.kernel,
        mesh=mesh,
        compiler_params=pltpu.CompilerParams(use_tc_tiling_on_sc=False),
        out_type=jax.ShapeDtypeStruct((n, d), jnp.float32),
        scratch_types=[
            pltpu.VMEM((chunks, _SC_CHUNK), jnp.int32),
            pltpu.VMEM((b_per_w, d), jnp.float32),
            pltpu.SemaphoreType.DMA,
        ],
    )
    def sc_gather(table_hbm, idx_hbm, out_hbm, idx_v, rows_v, sem):
        wid = lax.axis_index("s") * nc + lax.axis_index("c")
        base = wid * b_per_w
        for j in range(chunks):
            pltpu.sync_copy(
                idx_hbm.at[pl.ds(base + j * _SC_CHUNK, _SC_CHUNK)],
                idx_v.at[j],
            )
        copies = []
        for j in range(chunks):
            copies.append(
                pltpu.async_copy(
                    table_hbm.at[idx_v.at[j]],
                    rows_v.at[pl.ds(j * _SC_CHUNK, _SC_CHUNK)],
                    sem,
                )
            )
        for c in copies:
            c.wait()
        pltpu.sync_copy(rows_v, out_hbm.at[pl.ds(base, b_per_w)])

    return sc_gather



def kernel(z, codebook):
    k, d = codebook.shape
    z_flat = z.reshape(-1, d)
    n = z_flat.shape[0]
    tokens = _compute_tokens(z_flat, codebook)
    z_q = _make_sc_gather(k, d, n)(codebook, tokens)
    return (
        z_q.reshape(z.shape),
        tokens.reshape(z.shape[:-1]),
        codebook,
    )

# --- scband reference (transcript-rebuilt; emitter-appended) ---
"""Pipeline reference for scband-vector-quantizer-13451837571400 (READ-ONLY COPY).

The authoritative reference and input builder live on the scoring server;
editing this copy changes nothing except your own understanding.
"""

import jax, jax.numpy as jnp
import numpy as np

def setup_inputs(seed: int = 0) -> dict:
    key = jax.random.key(seed)
    k1, k2 = jax.random.split(key)
    z = jax.random.normal(k1, (16, 1024, 32), dtype=jnp.float32)
    codebook = jax.random.uniform(k2, (8192, 32), dtype=jnp.float32)
    return {"z": z, "codebook": codebook}

def reference(z, codebook):
    embed_dim = codebook.shape[1]
    z_flat = jnp.reshape(z, (-1, embed_dim))
    d1 = jnp.sum(z_flat ** 2, axis=1, keepdims=True)
    d2 = jnp.sum(codebook ** 2, axis=1)
    d3 = 2 * jnp.dot(z_flat, codebook.T)
    distances = d1 + d2 - d3
    tokens = jnp.argmin(distances, axis=1)
    tokens = jnp.reshape(tokens, z.shape[:-1])
    z_quantized = codebook[tokens]
    return (z_quantized, tokens, codebook)

if __name__ == "__main__":
    import jax
    _d = setup_inputs()
    print(jax.jit(kernel)(*tuple(_d.values())))

</pallas_src>

<mosaic_0001>
#map = affine_map<(d0, d1) -> (0, 0)>
#map1 = affine_map<(d0, d1) -> (0)>
module attributes {stable_mosaic.version = 14 : i64} {
  func.func @sc_gather(%arg0: i32, %arg1: i32, %arg2: memref<8192x32xf32, #tpu.memory_space<hbm>>, %arg3: memref<16384xi32, #tpu.memory_space<hbm>>, %arg4: memref<16384x32xf32, #tpu.memory_space<hbm>>, %arg5: memref<4x128xi32, #tpu.memory_space<vmem>>, %arg6: memref<512x32xf32, #tpu.memory_space<vmem>>, %arg7: memref<!tpu.dma_semaphore, #tpu.memory_space<semaphore_mem>>) attributes {dimension_semantics = [#tpu.dimension_semantics<core_parallel>, #tpu.dimension_semantics<subcore_parallel>], iteration_bounds = array<i64: 2, 16>, scalar_prefetch = 0 : i64, scratch_operands = 3 : i64, tpu.core_type = #tpu.core_type<sc_vector_subcore>, window_params = [{transform_indices = #map}, {transform_indices = #map1}, {transform_indices = #map}]} {
    %mul3A = arith.constant 2 : i32
    %mul3A_0 = arith.muli %arg1, %mul3A : i32
    %add3A = arith.addi %mul3A_0, %arg0 : i32
    %mul3A_1 = arith.constant 512 : i32
    %mul3A_2 = arith.muli %add3A, %mul3A_1 : i32
    %add3A_3 = arith.constant 0 : i32
    %add3A_4 = arith.addi %mul3A_2, %add3A_3 : i32
    %run_scoped3A = arith.constant 0 : i32
    "tpu.region"() ({
      %run_scoped3A_92 = tpu.sem_alloc : memref<!tpu.dma_semaphore, #tpu.memory_space<semaphore_mem>>
      %dma_start3A_93 = arith.constant 0 : i32
      %dma_start3A_94 = tpu.memref_slice %arg5[%run_scoped3A, %dma_start3A_93] : memref<4x128xi32, #tpu.memory_space<vmem>> -> memref<1x128xi32, #tpu.memory_space<vmem>>
      %dma_start3A_95 = tpu.memref_squeeze %dma_start3A_94 : memref<1x128xi32, #tpu.memory_space<vmem>> -> memref<128xi32, #tpu.memory_space<vmem>>
      %dma_start3A_96 = tpu.memref_slice %arg3[%add3A_4] : memref<16384xi32, #tpu.memory_space<hbm>> -> memref<128xi32, #tpu.memory_space<hbm>>
      %dma_start3A_97 = arith.constant 0 : i32
      %dma_start3A_98 = tpu.memref_slice %arg5[%run_scoped3A, %dma_start3A_97] : memref<4x128xi32, #tpu.memory_space<vmem>> -> memref<1x128xi32, #tpu.memory_space<vmem>>
      %dma_start3A_99 = tpu.memref_squeeze %dma_start3A_98 : memref<1x128xi32, #tpu.memory_space<vmem>> -> memref<128xi32, #tpu.memory_space<vmem>>
      %dma_start3A_100 = tpu.memref_slice %arg3[%add3A_4] : memref<16384xi32, #tpu.memory_space<hbm>> -> memref<128xi32, #tpu.memory_space<hbm>>
      tpu.enqueue_dma source(%dma_start3A_100 : memref<128xi32, #tpu.memory_space<hbm>>) target(%dma_start3A_99 : memref<128xi32, #tpu.memory_space<vmem>>) target_semaphore(%run_scoped3A_92 : memref<!tpu.dma_semaphore, #tpu.memory_space<semaphore_mem>>)
      %dma_wait3A_101 = arith.constant 0 : i32
      %dma_wait3A_102 = tpu.memref_slice %arg5[%run_scoped3A, %dma_wait3A_101] : memref<4x128xi32, #tpu.memory_space<vmem>> -> memref<1x128xi32, #tpu.memory_space<vmem>>
      %dma_wait3A_103 = tpu.memref_squeeze %dma_wait3A_102 : memref<1x128xi32, #tpu.memory_space<vmem>> -> memref<128xi32, #tpu.memory_space<vmem>>
      %dma_wait3A_104 = tpu.memref_slice %arg3[%add3A_4] : memref<16384xi32, #tpu.memory_space<hbm>> -> memref<128xi32, #tpu.memory_space<hbm>>
      %dma_wait3A_105 = arith.constant 0 : i32
      %dma_wait3A_106 = tpu.memref_slice %arg5[%run_scoped3A, %dma_wait3A_105] : memref<4x128xi32, #tpu.memory_space<vmem>> -> memref<1x128xi32, #tpu.memory_space<vmem>>
      %dma_wait3A_107 = tpu.memref_squeeze %dma_wait3A_106 : memref<1x128xi32, #tpu.memory_space<vmem>> -> memref<128xi32, #tpu.memory_space<vmem>>
      %dma_wait3A_108 = tpu.memref_slice %arg3[%add3A_4] : memref<16384xi32, #tpu.memory_space<hbm>> -> memref<128xi32, #tpu.memory_space<hbm>>
      tpu.wait_dma2 semaphore(%run_scoped3A_92 : memref<!tpu.dma_semaphore, #tpu.memory_space<semaphore_mem>>) src(%dma_wait3A_108 : memref<128xi32, #tpu.memory_space<hbm>>) dst(%dma_wait3A_107 : memref<128xi32, #tpu.memory_space<vmem>>)
      tpu.yield
    }) : () -> ()
    %add3A_5 = arith.constant 128 : i32
    %add3A_6 = arith.addi %mul3A_2, %add3A_5 : i32
    %run_scoped3A_7 = arith.constant 1 : i32
    "tpu.region"() ({
      %run_scoped3A_92 = tpu.sem_alloc : memref<!tpu.dma_semaphore, #tpu.memory_space<semaphore_mem>>
      %dma_start3A_93 = arith.constant 0 : i32
      %dma_start3A_94 = tpu.memref_slice %arg5[%run_scoped3A_7, %dma_start3A_93] : memref<4x128xi32, #tpu.memory_space<vmem>> -> memref<1x128xi32, #tpu.memory_space<vmem>>
      %dma_start3A_95 = tpu.memref_squeeze %dma_start3A_94 : memref<1x128xi32, #tpu.memory_space<vmem>> -> memref<128xi32, #tpu.memory_space<vmem>>
      %dma_start3A_96 = tpu.memref_slice %arg3[%add3A_6] : memref<16384xi32, #tpu.memory_space<hbm>> -> memref<128xi32, #tpu.memory_space<hbm>>
      %dma_start3A_97 = arith.constant 0 : i32
      %dma_start3A_98 = tpu.memref_slice %arg5[%run_scoped3A_7, %dma_start3A_97] : memref<4x128xi32, #tpu.memory_space<vmem>> -> memref<1x128xi32, #tpu.memory_space<vmem>>
      %dma_start3A_99 = tpu.memref_squeeze %dma_start3A_98 : memref<1x128xi32, #tpu.memory_space<vmem>> -> memref<128xi32, #tpu.memory_space<vmem>>
      %dma_start3A_100 = tpu.memref_slice %arg3[%add3A_6] : memref<16384xi32, #tpu.memory_space<hbm>> -> memref<128xi32, #tpu.memory_space<hbm>>
      tpu.enqueue_dma source(%dma_start3A_100 : memref<128xi32, #tpu.memory_space<hbm>>) target(%dma_start3A_99 : memref<128xi32, #tpu.memory_space<vmem>>) target_semaphore(%run_scoped3A_92 : memref<!tpu.dma_semaphore, #tpu.memory_space<semaphore_mem>>)
      %dma_wait3A_101 = arith.constant 0 : i32
      %dma_wait3A_102 = tpu.memref_slice %arg5[%run_scoped3A_7, %dma_wait3A_101] : memref<4x128xi32, #tpu.memory_space<vmem>> -> memref<1x128xi32, #tpu.memory_space<vmem>>
      %dma_wait3A_103 = tpu.memref_squeeze %dma_wait3A_102 : memref<1x128xi32, #tpu.memory_space<vmem>> -> memref<128xi32, #tpu.memory_space<vmem>>
      %dma_wait3A_104 = tpu.memref_slice %arg3[%add3A_6] : memref<16384xi32, #tpu.memory_space<hbm>> -> memref<128xi32, #tpu.memory_space<hbm>>
      %dma_wait3A_105 = arith.constant 0 : i32
      %dma_wait3A_106 = tpu.memref_slice %arg5[%run_scoped3A_7, %dma_wait3A_105] : memref<4x128xi32, #tpu.memory_space<vmem>> -> memref<1x128xi32, #tpu.memory_space<vmem>>
      %dma_wait3A_107 = tpu.memref_squeeze %dma_wait3A_106 : memref<1x128xi32, #tpu.memory_space<vmem>> -> memref<128xi32, #tpu.memory_space<vmem>>
      %dma_wait3A_108 = tpu.memref_slice %arg3[%add3A_6] : memref<16384xi32, #tpu.memory_space<hbm>> -> memref<128xi32, #tpu.memory_space<hbm>>
      tpu.wait_dma2 semaphore(%run_scoped3A_92 : memref<!tpu.dma_semaphore, #tpu.memory_space<semaphore_mem>>) src(%dma_wait3A_108 : memref<128xi32, #tpu.memory_space<hbm>>) dst(%dma_wait3A_107 : memref<128xi32, #tpu.memory_space<vmem>>)
      tpu.yield
    }) : () -> ()
    %add3A_8 = arith.constant 256 : i32
    %add3A_9 = arith.addi %mul3A_2, %add3A_8 : i32
    %run_scoped3A_10 = arith.constant 2 : i32
    "tpu.region"() ({
      %run_scoped3A_92 = tpu.sem_alloc : memref<!tpu.dma_semaphore, #tpu.memory_space<semaphore_mem>>
      %dma_start3A_93 = arith.constant 0 : i32
      %dma_start3A_94 = tpu.memref_slice %arg5[%run_scoped3A_10, %dma_start3A_93] : memref<4x128xi32, #tpu.memory_space<vmem>> -> memref<1x128xi32, #tpu.memory_space<vmem>>
      %dma_start3A_95 = tpu.memref_squeeze %dma_start3A_94 : memref<1x128xi32, #tpu.memory_space<vmem>> -> memref<128xi32, #tpu.memory_space<vmem>>
      %dma_start3A_96 = tpu.memref_slice %arg3[%add3A_9] : memref<16384xi32, #tpu.memory_space<hbm>> -> memref<128xi32, #tpu.memory_space<hbm>>
      %dma_start3A_97 = arith.constant 0 : i32
      %dma_start3A_98 = tpu.memref_slice %arg5[%run_scoped3A_10, %dma_start3A_97] : memref<4x128xi32, #tpu.memory_space<vmem>> -> memref<1x128xi32, #tpu.memory_space<vmem>>
      %dma_start3A_99 = tpu.memref_squeeze %dma_start3A_98 : memref<1x128xi32, #tpu.memory_space<vmem>> -> memref<128xi32, #tpu.memory_space<vmem>>
      %dma_start3A_100 = tpu.memref_slice %arg3[%add3A_9] : memref<16384xi32, #tpu.memory_space<hbm>> -> memref<128xi32, #tpu.memory_space<hbm>>
      tpu.enqueue_dma source(%dma_start3A_100 : memref<128xi32, #tpu.memory_space<hbm>>) target(%dma_start3A_99 : memref<128xi32, #tpu.memory_space<vmem>>) target_semaphore(%run_scoped3A_92 : memref<!tpu.dma_semaphore, #tpu.memory_space<semaphore_mem>>)
      %dma_wait3A_101 = arith.constant 0 : i32
      %dma_wait3A_102 = tpu.memref_slice %arg5[%run_scoped3A_10, %dma_wait3A_101] : memref<4x128xi32, #tpu.memory_space<vmem>> -> memref<1x128xi32, #tpu.memory_space<vmem>>
      %dma_wait3A_103 = tpu.memref_squeeze %dma_wait3A_102 : memref<1x128xi32, #tpu.memory_space<vmem>> -> memref<128xi32, #tpu.memory_space<vmem>>
      %dma_wait3A_104 = tpu.memref_slice %arg3[%add3A_9] : memref<16384xi32, #tpu.memory_space<hbm>> -> memref<128xi32, #tpu.memory_space<hbm>>
      %dma_wait3A_105 = arith.constant 0 : i32
      %dma_wait3A_106 = tpu.memref_slice %arg5[%run_scoped3A_10, %dma_wait3A_105] : memref<4x128xi32, #tpu.memory_space<vmem>> -> memref<1x128xi32, #tpu.memory_space<vmem>>
      %dma_wait3A_107 = tpu.memref_squeeze %dma_wait3A_106 : memref<1x128xi32, #tpu.memory_space<vmem>> -> memref<128xi32, #tpu.memory_space<vmem>>
      %dma_wait3A_108 = tpu.memref_slice %arg3[%add3A_9] : memref<16384xi32, #tpu.memory_space<hbm>> -> memref<128xi32, #tpu.memory_space<hbm>>
      tpu.wait_dma2 semaphore(%run_scoped3A_92 : memref<!tpu.dma_semaphore, #tpu.memory_space<semaphore_mem>>) src(%dma_wait3A_108 : memref<128xi32, #tpu.memory_space<hbm>>) dst(%dma_wait3A_107 : memref<128xi32, #tpu.memory_space<vmem>>)
      tpu.yield
    }) : () -> ()
    %add3A_11 = arith.constant 384 : i32
    %add3A_12 = arith.addi %mul3A_2, %add3A_11 : i32
    %run_scoped3A_13 = arith.constant 3 : i32
    "tpu.region"() ({
      %run_scoped3A_92 = tpu.sem_alloc : memref<!tpu.dma_semaphore, #tpu.memory_space<semaphore_mem>>
      %dma_start3A_93 = arith.constant 0 : i32
      %dma_start3A_94 = tpu.memref_slice %arg5[%run_scoped3A_13, %dma_start3A_93] : memref<4x128xi32, #tpu.memory_space<vmem>> -> memref<1x128xi32, #tpu.memory_space<vmem>>
      %dma_start3A_95 = tpu.memref_squeeze %dma_start3A_94 : memref<1x128xi32, #tpu.memory_space<vmem>> -> memref<128xi32, #tpu.memory_space<vmem>>
      %dma_start3A_96 = tpu.memref_slice %arg3[%add3A_12] : memref<16384xi32, #tpu.memory_space<hbm>> -> memref<128xi32, #tpu.memory_space<hbm>>
      %dma_start3A_97 = arith.constant 0 : i32
      %dma_start3A_98 = tpu.memref_slice %arg5[%run_scoped3A_13, %dma_start3A_97] : memref<4x128xi32, #tpu.memory_space<vmem>> -> memref<1x128xi32, #tpu.memory_space<vmem>>
      %dma_start3A_99 = tpu.memref_squeeze %dma_start3A_98 : memref<1x128xi32, #tpu.memory_space<vmem>> -> memref<128xi32, #tpu.memory_space<vmem>>
      %dma_start3A_100 = tpu.memref_slice %arg3[%add3A_12] : memref<16384xi32, #tpu.memory_space<hbm>> -> memref<128xi32, #tpu.memory_space<hbm>>
      tpu.enqueue_dma source(%dma_start3A_100 : memref<128xi32, #tpu.memory_space<hbm>>) target(%dma_start3A_99 : memref<128xi32, #tpu.memory_space<vmem>>) target_semaphore(%run_scoped3A_92 : memref<!tpu.dma_semaphore, #tpu.memory_space<semaphore_mem>>)
      %dma_wait3A_101 = arith.constant 0 : i32
      %dma_wait3A_102 = tpu.memref_slice %arg5[%run_scoped3A_13, %dma_wait3A_101] : memref<4x128xi32, #tpu.memory_space<vmem>> -> memref<1x128xi32, #tpu.memory_space<vmem>>
      %dma_wait3A_103 = tpu.memref_squeeze %dma_wait3A_102 : memref<1x128xi32, #tpu.memory_space<vmem>> -> memref<128xi32, #tpu.memory_space<vmem>>
      %dma_wait3A_104 = tpu.memref_slice %arg3[%add3A_12] : memref<16384xi32, #tpu.memory_space<hbm>> -> memref<128xi32, #tpu.memory_space<hbm>>
      %dma_wait3A_105 = arith.constant 0 : i32
      %dma_wait3A_106 = tpu.memref_slice %arg5[%run_scoped3A_13, %dma_wait3A_105] : memref<4x128xi32, #tpu.memory_space<vmem>> -> memref<1x128xi32, #tpu.memory_space<vmem>>
      %dma_wait3A_107 = tpu.memref_squeeze %dma_wait3A_106 : memref<1x128xi32, #tpu.memory_space<vmem>> -> memref<128xi32, #tpu.memory_space<vmem>>
      %dma_wait3A_108 = tpu.memref_slice %arg3[%add3A_12] : memref<16384xi32, #tpu.memory_space<hbm>> -> memref<128xi32, #tpu.memory_space<hbm>>
      tpu.wait_dma2 semaphore(%run_scoped3A_92 : memref<!tpu.dma_semaphore, #tpu.memory_space<semaphore_mem>>) src(%dma_wait3A_108 : memref<128xi32, #tpu.memory_space<hbm>>) dst(%dma_wait3A_107 : memref<128xi32, #tpu.memory_space<vmem>>)
      tpu.yield
    }) : () -> ()
    %dma_start3A = arith.constant 0 : i32
    %dma_start3A_14 = arith.constant 0 : i32
    %dma_start3A_15 = arith.constant 0 : i32
    %dma_start3A_16 = tpu.memref_slice %arg6[%dma_start3A_14, %dma_start3A_15] : memref<512x32xf32, #tpu.memory_space<vmem>> -> memref<128x32xf32, #tpu.memory_space<vmem>>
    %dma_start3A_17 = arith.constant 0 : i32
    %dma_start3A_18 = tpu.memref_slice %arg5[%dma_start3A, %dma_start3A_17] : memref<4x128xi32, #tpu.memory_space<vmem>> -> memref<1x128xi32, #tpu.memory_space<vmem>>
    %dma_start3A_19 = tpu.memref_squeeze %dma_start3A_18 : memref<1x128xi32, #tpu.memory_space<vmem>> -> memref<128xi32, #tpu.memory_space<vmem>>
    %dma_start3A_20 = arith.constant 0 : i32
    %dma_start3A_21 = arith.constant 0 : i32
    %dma_start3A_22 = tpu.memref_slice %arg2[%dma_start3A_20, %dma_start3A_21] : memref<8192x32xf32, #tpu.memory_space<hbm>> -> memref<8192x32xf32, #tpu.memory_space<hbm>>
    tpu.enqueue_indirect_dma source(%dma_start3A_22 : memref<8192x32xf32, #tpu.memory_space<hbm>>) target(%dma_start3A_16 : memref<128x32xf32, #tpu.memory_space<vmem>>) offsets(%dma_start3A_19 : memref<128xi32, #tpu.memory_space<vmem>>) semaphore(%arg7 : memref<!tpu.dma_semaphore, #tpu.memory_space<semaphore_mem>>)
    %dma_start3A_23 = arith.constant 1 : i32
    %dma_start3A_24 = arith.constant 128 : i32
    %dma_start3A_25 = arith.constant 0 : i32
    %dma_start3A_26 = tpu.memref_slice %arg6[%dma_start3A_24, %dma_start3A_25] : memref<512x32xf32, #tpu.memory_space<vmem>> -> memref<128x32xf32, #tpu.memory_space<vmem>>
    %dma_start3A_27 = arith.constant 0 : i32
    %dma_start3A_28 = tpu.memref_slice %arg5[%dma_start3A_23, %dma_start3A_27] : memref<4x128xi32, #tpu.memory_space<vmem>> -> memref<1x128xi32, #tpu.memory_space<vmem>>
    %dma_start3A_29 = tpu.memref_squeeze %dma_start3A_28 : memref<1x128xi32, #tpu.memory_space<vmem>> -> memref<128xi32, #tpu.memory_space<vmem>>
    %dma_start3A_30 = arith.constant 0 : i32
    %dma_start3A_31 = arith.constant 0 : i32
    %dma_start3A_32 = tpu.memref_slice %arg2[%dma_start3A_30, %dma_start3A_31] : memref<8192x32xf32, #tpu.memory_space<hbm>> -> memref<8192x32xf32, #tpu.memory_space<hbm>>
    tpu.enqueue_indirect_dma source(%dma_start3A_32 : memref<8192x32xf32, #tpu.memory_space<hbm>>) target(%dma_start3A_26 : memref<128x32xf32, #tpu.memory_space<vmem>>) offsets(%dma_start3A_29 : memref<128xi32, #tpu.memory_space<vmem>>) semaphore(%arg7 : memref<!tpu.dma_semaphore, #tpu.memory_space<semaphore_mem>>)
    %dma_start3A_33 = arith.constant 2 : i32
    %dma_start3A_34 = arith.constant 256 : i32
    %dma_start3A_35 = arith.constant 0 : i32
    %dma_start3A_36 = tpu.memref_slice %arg6[%dma_start3A_34, %dma_start3A_35] : memref<512x32xf32, #tpu.memory_space<vmem>> -> memref<128x32xf32, #tpu.memory_space<vmem>>
    %dma_start3A_37 = arith.constant 0 : i32
    %dma_start3A_38 = tpu.memref_slice %arg5[%dma_start3A_33, %dma_start3A_37] : memref<4x128xi32, #tpu.memory_space<vmem>> -> memref<1x128xi32, #tpu.memory_space<vmem>>
    %dma_start3A_39 = tpu.memref_squeeze %dma_start3A_38 : memref<1x128xi32, #tpu.memory_space<vmem>> -> memref<128xi32, #tpu.memory_space<vmem>>
    %dma_start3A_40 = arith.constant 0 : i32
    %dma_start3A_41 = arith.constant 0 : i32
    %dma_start3A_42 = tpu.memref_slice %arg2[%dma_start3A_40, %dma_start3A_41] : memref<8192x32xf32, #tpu.memory_space<hbm>> -> memref<8192x32xf32, #tpu.memory_space<hbm>>
    tpu.enqueue_indirect_dma source(%dma_start3A_42 : memref<8192x32xf32, #tpu.memory_space<hbm>>) target(%dma_start3A_36 : memref<128x32xf32, #tpu.memory_space<vmem>>) offsets(%dma_start3A_39 : memref<128xi32, #tpu.memory_space<vmem>>) semaphore(%arg7 : memref<!tpu.dma_semaphore, #tpu.memory_space<semaphore_mem>>)
    %dma_start3A_43 = arith.constant 3 : i32
    %dma_start3A_44 = arith.constant 384 : i32
    %dma_start3A_45 = arith.constant 0 : i32
    %dma_start3A_46 = tpu.memref_slice %arg6[%dma_start3A_44, %dma_start3A_45] : memref<512x32xf32, #tpu.memory_space<vmem>> -> memref<128x32xf32, #tpu.memory_space<vmem>>
    %dma_start3A_47 = arith.constant 0 : i32
    %dma_start3A_48 = tpu.memref_slice %arg5[%dma_start3A_43, %dma_start3A_47] : memref<4x128xi32, #tpu.memory_space<vmem>> -> memref<1x128xi32, #tpu.memory_space<vmem>>
    %dma_start3A_49 = tpu.memref_squeeze %dma_start3A_48 : memref<1x128xi32, #tpu.memory_space<vmem>> -> memref<128xi32, #tpu.memory_space<vmem>>
    %dma_start3A_50 = arith.constant 0 : i32
    %dma_start3A_51 = arith.constant 0 : i32
    %dma_start3A_52 = tpu.memref_slice %arg2[%dma_start3A_50, %dma_start3A_51] : memref<8192x32xf32, #tpu.memory_space<hbm>> -> memref<8192x32xf32, #tpu.memory_space<hbm>>
    tpu.enqueue_indirect_dma source(%dma_start3A_52 : memref<8192x32xf32, #tpu.memory_space<hbm>>) target(%dma_start3A_46 : memref<128x32xf32, #tpu.memory_space<vmem>>) offsets(%dma_start3A_49 : memref<128xi32, #tpu.memory_space<vmem>>) semaphore(%arg7 : memref<!tpu.dma_semaphore, #tpu.memory_space<semaphore_mem>>)
    %dma_wait3A = arith.constant 0 : i32
    %dma_wait3A_53 = arith.constant 0 : i32
    %dma_wait3A_54 = arith.constant 0 : i32
    %dma_wait3A_55 = tpu.memref_slice %arg6[%dma_wait3A_53, %dma_wait3A_54] : memref<512x32xf32, #tpu.memory_space<vmem>> -> memref<128x32xf32, #tpu.memory_space<vmem>>
    %dma_wait3A_56 = arith.constant 0 : i32
    %dma_wait3A_57 = tpu.memref_slice %arg5[%dma_wait3A, %dma_wait3A_56] : memref<4x128xi32, #tpu.memory_space<vmem>> -> memref<1x128xi32, #tpu.memory_space<vmem>>
    %dma_wait3A_58 = tpu.memref_squeeze %dma_wait3A_57 : memref<1x128xi32, #tpu.memory_space<vmem>> -> memref<128xi32, #tpu.memory_space<vmem>>
    %dma_wait3A_59 = arith.constant 0 : i32
    %dma_wait3A_60 = arith.constant 0 : i32
    %dma_wait3A_61 = tpu.memref_slice %arg2[%dma_wait3A_59, %dma_wait3A_60] : memref<8192x32xf32, #tpu.memory_space<hbm>> -> memref<8192x32xf32, #tpu.memory_space<hbm>>
    tpu.wait_indirect_dma semaphore(%arg7 : memref<!tpu.dma_semaphore, #tpu.memory_space<semaphore_mem>>) src(%dma_wait3A_61 : memref<8192x32xf32, #tpu.memory_space<hbm>>) dst(%dma_wait3A_55 : memref<128x32xf32, #tpu.memory_space<vmem>>)
    %dma_wait3A_62 = arith.constant 1 : i32
    %dma_wait3A_63 = arith.constant 128 : i32
    %dma_wait3A_64 = arith.constant 0 : i32
    %dma_wait3A_65 = tpu.memref_slice %arg6[%dma_wait3A_63, %dma_wait3A_64] : memref<512x32xf32, #tpu.memory_space<vmem>> -> memref<128x32xf32, #tpu.memory_space<vmem>>
    %dma_wait3A_66 = arith.constant 0 : i32
    %dma_wait3A_67 = tpu.memref_slice %arg5[%dma_wait3A_62, %dma_wait3A_66] : memref<4x128xi32, #tpu.memory_space<vmem>> -> memref<1x128xi32, #tpu.memory_space<vmem>>
    %dma_wait3A_68 = tpu.memref_squeeze %dma_wait3A_67 : memref<1x128xi32, #tpu.memory_space<vmem>> -> memref<128xi32, #tpu.memory_space<vmem>>
    %dma_wait3A_69 = arith.constant 0 : i32
    %dma_wait3A_70 = arith.constant 0 : i32
    %dma_wait3A_71 = tpu.memref_slice %arg2[%dma_wait3A_69, %dma_wait3A_70] : memref<8192x32xf32, #tpu.memory_space<hbm>> -> memref<8192x32xf32, #tpu.memory_space<hbm>>
    tpu.wait_indirect_dma semaphore(%arg7 : memref<!tpu.dma_semaphore, #tpu.memory_space<semaphore_mem>>) src(%dma_wait3A_71 : memref<8192x32xf32, #tpu.memory_space<hbm>>) dst(%dma_wait3A_65 : memref<128x32xf32, #tpu.memory_space<vmem>>)
    %dma_wait3A_72 = arith.constant 2 : i32
    %dma_wait3A_73 = arith.constant 256 : i32
    %dma_wait3A_74 = arith.constant 0 : i32
    %dma_wait3A_75 = tpu.memref_slice %arg6[%dma_wait3A_73, %dma_wait3A_74] : memref<512x32xf32, #tpu.memory_space<vmem>> -> memref<128x32xf32, #tpu.memory_space<vmem>>
    %dma_wait3A_76 = arith.constant 0 : i32
    %dma_wait3A_77 = tpu.memref_slice %arg5[%dma_wait3A_72, %dma_wait3A_76] : memref<4x128xi32, #tpu.memory_space<vmem>> -> memref<1x128xi32, #tpu.memory_space<vmem>>
    %dma_wait3A_78 = tpu.memref_squeeze %dma_wait3A_77 : memref<1x128xi32, #tpu.memory_space<vmem>> -> memref<128xi32, #tpu.memory_space<vmem>>
    %dma_wait3A_79 = arith.constant 0 : i32
    %dma_wait3A_80 = arith.constant 0 : i32
    %dma_wait3A_81 = tpu.memref_slice %arg2[%dma_wait3A_79, %dma_wait3A_80] : memref<8192x32xf32, #tpu.memory_space<hbm>> -> memref<8192x32xf32, #tpu.memory_space<hbm>>
    tpu.wait_indirect_dma semaphore(%arg7 : memref<!tpu.dma_semaphore, #tpu.memory_space<semaphore_mem>>) src(%dma_wait3A_81 : memref<8192x32xf32, #tpu.memory_space<hbm>>) dst(%dma_wait3A_75 : memref<128x32xf32, #tpu.memory_space<vmem>>)
    %dma_wait3A_82 = arith.constant 3 : i32
    %dma_wait3A_83 = arith.constant 384 : i32
    %dma_wait3A_84 = arith.constant 0 : i32
    %dma_wait3A_85 = tpu.memref_slice %arg6[%dma_wait3A_83, %dma_wait3A_84] : memref<512x32xf32, #tpu.memory_space<vmem>> -> memref<128x32xf32, #tpu.memory_space<vmem>>
    %dma_wait3A_86 = arith.constant 0 : i32
    %dma_wait3A_87 = tpu.memref_slice %arg5[%dma_wait3A_82, %dma_wait3A_86] : memref<4x128xi32, #tpu.memory_space<vmem>> -> memref<1x128xi32, #tpu.memory_space<vmem>>
    %dma_wait3A_88 = tpu.memref_squeeze %dma_wait3A_87 : memref<1x128xi32, #tpu.memory_space<vmem>> -> memref<128xi32, #tpu.memory_space<vmem>>
    %dma_wait3A_89 = arith.constant 0 : i32
    %dma_wait3A_90 = arith.constant 0 : i32
    %dma_wait3A_91 = tpu.memref_slice %arg2[%dma_wait3A_89, %dma_wait3A_90] : memref<8192x32xf32, #tpu.memory_space<hbm>> -> memref<8192x32xf32, #tpu.memory_space<hbm>>
    tpu.wait_indirect_dma semaphore(%arg7 : memref<!tpu.dma_semaphore, #tpu.memory_space<semaphore_mem>>) src(%dma_wait3A_91 : memref<8192x32xf32, #tpu.memory_space<hbm>>) dst(%dma_wait3A_85 : memref<128x32xf32, #tpu.memory_space<vmem>>)
    "tpu.region"() ({
      %run_scoped3A_92 = tpu.sem_alloc : memref<!tpu.dma_semaphore, #tpu.memory_space<semaphore_mem>>
      %dma_start3A_93 = arith.constant 0 : i32
      %dma_start3A_94 = tpu.memref_slice %arg4[%mul3A_2, %dma_start3A_93] : memref<16384x32xf32, #tpu.memory_space<hbm>> -> memref<512x32xf32, #tpu.memory_space<hbm>>
      %dma_start3A_95 = arith.constant 0 : i32
      %dma_start3A_96 = tpu.memref_slice %arg4[%mul3A_2, %dma_start3A_95] : memref<16384x32xf32, #tpu.memory_space<hbm>> -> memref<512x32xf32, #tpu.memory_space<hbm>>
      tpu.enqueue_dma source(%arg6 : memref<512x32xf32, #tpu.memory_space<vmem>>) target(%dma_start3A_96 : memref<512x32xf32, #tpu.memory_space<hbm>>) target_semaphore(%run_scoped3A_92 : memref<!tpu.dma_semaphore, #tpu.memory_space<semaphore_mem>>)
      %dma_wait3A_97 = arith.constant 0 : i32
      %dma_wait3A_98 = tpu.memref_slice %arg4[%mul3A_2, %dma_wait3A_97] : memref<16384x32xf32, #tpu.memory_space<hbm>> -> memref<512x32xf32, #tpu.memory_space<hbm>>
      %dma_wait3A_99 = arith.constant 0 : i32
      %dma_wait3A_100 = tpu.memref_slice %arg4[%mul3A_2, %dma_wait3A_99] : memref<16384x32xf32, #tpu.memory_space<hbm>> -> memref<512x32xf32, #tpu.memory_space<hbm>>
      tpu.wait_dma2 semaphore(%run_scoped3A_92 : memref<!tpu.dma_semaphore, #tpu.memory_space<semaphore_mem>>) src(%arg6 : memref<512x32xf32, #tpu.memory_space<vmem>>) dst(%dma_wait3A_100 : memref<512x32xf32, #tpu.memory_space<hbm>>)
      tpu.yield
    }) : () -> ()
    return
  }
}

module attributes {stable_mosaic.version = 14 : i64} {
  func.func @_argmin_body(%arg0: i32, %arg1: memref<8192x32xf32, #tpu.memory_space<vmem>>, %arg2: memref<256x32xbf16, #tpu.memory_space<vmem>>, %arg3: memref<1x1x256xf32, #tpu.memory_space<vmem>>, %arg4: memref<1x1x8192xf32, #tpu.memory_space<vmem>>, %arg5: memref<1x1x256xi32, #tpu.memory_space<vmem>>) attributes {dimension_semantics = [#tpu.dimension_semantics<arbitrary>], iteration_bounds = array<i64: 64>, scalar_prefetch = 0 : i64, scratch_operands = 0 : i64, tpu.core_type = #tpu.core_type<tc>, window_params = [{pipeline_mode = #tpu.pipeline_mode<synchronous>, transform_indices = @transform_0, window_bounds = array<i64: 8192, 32>}, {transform_indices = @transform_1, window_bounds = array<i64: 256, 32>}, {transform_indices = @transform_2, window_bounds = array<i64: 1, 1, 256>}, {pipeline_mode = #tpu.pipeline_mode<synchronous>, transform_indices = @transform_3, window_bounds = array<i64: 1, 1, 8192>}, {transform_indices = @transform_4, window_bounds = array<i64: 1, 1, 256>}]} {
    %get3A = arith.constant 0 : index
    %get3A_0 = arith.constant 0 : index
    %get3A_1 = vector.load %arg2[%get3A, %get3A_0] : memref<256x32xbf16, #tpu.memory_space<vmem>>, vector<256x32xbf16>
    %get3A_2 = arith.constant 0 : index
    %get3A_3 = arith.constant 0 : index
    %get3A_4 = arith.constant 0 : index
    %get3A_5 = vector.load %arg3[%get3A_2, %get3A_3, %get3A_4] : memref<1x1x256xf32, #tpu.memory_space<vmem>>, vector<1x1x256xf32>
    %squeeze3A = vector.shape_cast %get3A_5 : vector<1x1x256xf32> to vector<1x256xf32>
    %broadcast_in_dim3A = arith.constant 0x7F800000 : f32
    %broadcast_in_dim3A_6 = vector.broadcast %broadcast_in_dim3A : f32 to vector<1x256xf32>
    %broadcast_in_dim3A_7 = arith.constant 0 : i32
    %broadcast_in_dim3A_8 = vector.broadcast %broadcast_in_dim3A_7 : i32 to vector<1x256xi32>
    %get3A_9 = arith.constant 0 : index
    %get3A_10 = arith.constant 0 : index
    %get3A_11 = vector.load %arg1[%get3A_9, %get3A_10] : memref<8192x32xf32, #tpu.memory_space<vmem>>, vector<1024x32xf32>
    %get3A_12 = arith.constant 0 : index
    %get3A_13 = arith.constant 0 : index
    %get3A_14 = arith.constant 0 : index
    %get3A_15 = vector.load %arg4[%get3A_12, %get3A_13, %get3A_14] : memref<1x1x8192xf32, #tpu.memory_space<vmem>>, vector<1x1x1024xf32>
    %get3A_16 = vector.shape_cast %get3A_15 : vector<1x1x1024xf32> to vector<1024xf32>
    %dot_general3A = arith.constant dense<0.000000e+00> : vector<1024x256xf32>
    %dot_general3A_17 = tpu.matmul %get3A_11, %get3A_1, %dot_general3A {dimension_numbers = #tpu.dot_dimension_numbers<[1], [1], [0], [0], [0, 0, 1, 0], [], []>, transpose_lhs_hint = false} : vector<1024x32xf32>, vector<256x32xbf16>, vector<1024x256xf32> -> vector<1024x256xf32>
    %broadcast_in_dim3A_18 = vector.shape_cast %get3A_16 : vector<1024xf32> to vector<1024x1xf32>
    %add3A = vector.broadcast %squeeze3A : vector<1x256xf32> to vector<1024x256xf32>
    %add3A_19 = vector.broadcast %broadcast_in_dim3A_18 : vector<1024x1xf32> to vector<1024x256xf32>
    %add3A_20 = arith.addf %add3A, %add3A_19 : vector<1024x256xf32>
    %mul3A = arith.constant 2.000000e+00 : f32
    %mul3A_21 = vector.broadcast %mul3A : f32 to vector<1024x256xf32>
    %mul3A_22 = arith.mulf %mul3A_21, %dot_general3A_17 : vector<1024x256xf32>
    %sub3A = arith.subf %add3A_20, %mul3A_22 : vector<1024x256xf32>
    %reduce_min3A = arith.constant dense<0x7F800000> : vector<256xf32>
    %reduce_min3A_23 = vector.multi_reduction <minimumf>, %sub3A, %reduce_min3A [0] : vector<1024x256xf32> to vector<256xf32>
    %broadcast_in_dim3A_24 = vector.shape_cast %reduce_min3A_23 : vector<256xf32> to vector<1x256xf32>
    %iota3A = tpu.iota {dimensions = array<i32: 0>} : vector<1024x256xi32>
    %add3A_25 = arith.constant 0 : i32
    %add3A_26 = vector.broadcast %add3A_25 : i32 to vector<1024x256xi32>
    %add3A_27 = arith.addi %iota3A, %add3A_26 : vector<1024x256xi32>
    %eq3A = vector.broadcast %broadcast_in_dim3A_24 : vector<1x256xf32> to vector<1024x256xf32>
    %eq3A_28 = arith.cmpf oeq, %sub3A, %eq3A : vector<1024x256xf32>
    %jit3A = arith.constant 8192 : i32
    %broadcast_in_dim3A_29 = vector.broadcast %jit3A : i32 to vector<1024x256xi32>
    %select_n3A = arith.select %eq3A_28, %add3A_27, %broadcast_in_dim3A_29 : vector<1024x256xi1>, vector<1024x256xi32>
    %reduce_min3A_30 = arith.constant dense<2147483647> : vector<256xi32>
    %reduce_min3A_31 = vector.multi_reduction <minsi>, %select_n3A, %reduce_min3A_30 [0] : vector<1024x256xi32> to vector<256xi32>
    %broadcast_in_dim3A_32 = vector.shape_cast %reduce_min3A_31 : vector<256xi32> to vector<1x256xi32>
    %lt3A = arith.cmpf olt, %broadcast_in_dim3A_24, %broadcast_in_dim3A_6 : vector<1x256xf32>
    %select_n3A_33 = arith.select %lt3A, %broadcast_in_dim3A_32, %broadcast_in_dim3A_8 : vector<1x256xi1>, vector<1x256xi32>
    %select_n3A_34 = arith.select %lt3A, %broadcast_in_dim3A_24, %broadcast_in_dim3A_6 : vector<1x256xi1>, vector<1x256xf32>
    %get3A_35 = arith.constant 1024 : index
    %get3A_36 = arith.constant 0 : index
    %get3A_37 = vector.load %arg1[%get3A_35, %get3A_36] : memref<8192x32xf32, #tpu.memory_space<vmem>>, vector<1024x32xf32>
    %get3A_38 = arith.constant 0 : index
    %get3A_39 = arith.constant 0 : index
    %get3A_40 = arith.constant 1024 : index
    %get3A_41 = vector.load %arg4[%get3A_38, %get3A_39, %get3A_40] : memref<1x1x8192xf32, #tpu.memory_space<vmem>>, vector<1x1x1024xf32>
    %get3A_42 = vector.shape_cast %get3A_41 : vector<1x1x1024xf32> to vector<1024xf32>
    %dot_general3A_43 = arith.constant dense<0.000000e+00> : vector<1024x256xf32>
    %dot_general3A_44 = tpu.matmul %get3A_37, %get3A_1, %dot_general3A_43 {dimension_numbers = #tpu.dot_dimension_numbers<[1], [1], [0], [0], [0, 0, 1, 0], [], []>, transpose_lhs_hint = false} : vector<1024x32xf32>, vector<256x32xbf16>, vector<1024x256xf32> -> vector<1024x256xf32>
    %broadcast_in_dim3A_45 = vector.shape_cast %get3A_42 : vector<1024xf32> to vector<1024x1xf32>
    %add3A_46 = vector.broadcast %squeeze3A : vector<1x256xf32> to vector<1024x256xf32>
    %add3A_47 = vector.broadcast %broadcast_in_dim3A_45 : vector<1024x1xf32> to vector<1024x256xf32>
    %add3A_48 = arith.addf %add3A_46, %add3A_47 : vector<1024x256xf32>
    %mul3A_49 = arith.constant 2.000000e+00 : f32
    %mul3A_50 = vector.broadcast %mul3A_49 : f32 to vector<1024x256xf32>
    %mul3A_51 = arith.mulf %mul3A_50, %dot_general3A_44 : vector<1024x256xf32>
    %sub3A_52 = arith.subf %add3A_48, %mul3A_51 : vector<1024x256xf32>
    %reduce_min3A_53 = arith.constant dense<0x7F800000> : vector<256xf32>
    %reduce_min3A_54 = vector.multi_reduction <minimumf>, %sub3A_52, %reduce_min3A_53 [0] : vector<1024x256xf32> to vector<256xf32>
    %broadcast_in_dim3A_55 = vector.shape_cast %reduce_min3A_54 : vector<256xf32> to vector<1x256xf32>
    %iota3A_56 = tpu.iota {dimensions = array<i32: 0>} : vector<1024x256xi32>
    %add3A_57 = arith.constant 1024 : i32
    %add3A_58 = vector.broadcast %add3A_57 : i32 to vector<1024x256xi32>
    %add3A_59 = arith.addi %iota3A_56, %add3A_58 : vector<1024x256xi32>
    %eq3A_60 = vector.broadcast %broadcast_in_dim3A_55 : vector<1x256xf32> to vector<1024x256xf32>
    %eq3A_61 = arith.cmpf oeq, %sub3A_52, %eq3A_60 : vector<1024x256xf32>
    %jit3A_62 = arith.constant 8192 : i32
    %broadcast_in_dim3A_63 = vector.broadcast %jit3A_62 : i32 to vector<1024x256xi32>
    %select_n3A_64 = arith.select %eq3A_61, %add3A_59, %broadcast_in_dim3A_63 : vector<1024x256xi1>, vector<1024x256xi32>
    %reduce_min3A_65 = arith.constant dense<2147483647> : vector<256xi32>
    %reduce_min3A_66 = vector.multi_reduction <minsi>, %select_n3A_64, %reduce_min3A_65 [0] : vector<1024x256xi32> to vector<256xi32>
    %broadcast_in_dim3A_67 = vector.shape_cast %reduce_min3A_66 : vector<256xi32> to vector<1x256xi32>
    %lt3A_68 = arith.cmpf olt, %broadcast_in_dim3A_55, %select_n3A_34 : vector<1x256xf32>
    %select_n3A_69 = arith.select %lt3A_68, %broadcast_in_dim3A_67, %select_n3A_33 : vector<1x256xi1>, vector<1x256xi32>
    %select_n3A_70 = arith.select %lt3A_68, %broadcast_in_dim3A_55, %select_n3A_34 : vector<1x256xi1>, vector<1x256xf32>
    %get3A_71 = arith.constant 2048 : index
    %get3A_72 = arith.constant 0 : index
    %get3A_73 = vector.load %arg1[%get3A_71, %get3A_72] : memref<8192x32xf32, #tpu.memory_space<vmem>>, vector<1024x32xf32>
    %get3A_74 = arith.constant 0 : index
    %get3A_75 = arith.constant 0 : index
    %get3A_76 = arith.constant 2048 : index
    %get3A_77 = vector.load %arg4[%get3A_74, %get3A_75, %get3A_76] : memref<1x1x8192xf32, #tpu.memory_space<vmem>>, vector<1x1x1024xf32>
    %get3A_78 = vector.shape_cast %get3A_77 : vector<1x1x1024xf32> to vector<1024xf32>
    %dot_general3A_79 = arith.constant dense<0.000000e+00> : vector<1024x256xf32>
    %dot_general3A_80 = tpu.matmul %get3A_73, %get3A_1, %dot_general3A_79 {dimension_numbers = #tpu.dot_dimension_numbers<[1], [1], [0], [0], [0, 0, 1, 0], [], []>, transpose_lhs_hint = false} : vector<1024x32xf32>, vector<256x32xbf16>, vector<1024x256xf32> -> vector<1024x256xf32>
    %broadcast_in_dim3A_81 = vector.shape_cast %get3A_78 : vector<1024xf32> to vector<1024x1xf32>
    %add3A_82 = vector.broadcast %squeeze3A : vector<1x256xf32> to vector<1024x256xf32>
    %add3A_83 = vector.broadcast %broadcast_in_dim3A_81 : vector<1024x1xf32> to vector<1024x256xf32>
    %add3A_84 = arith.addf %add3A_82, %add3A_83 : vector<1024x256xf32>
    %mul3A_85 = arith.constant 2.000000e+00 : f32
    %mul3A_86 = vector.broadcast %mul3A_85 : f32 to vector<1024x256xf32>
    %mul3A_87 = arith.mulf %mul3A_86, %dot_general3A_80 : vector<1024x256xf32>
    %sub3A_88 = arith.subf %add3A_84, %mul3A_87 : vector<1024x256xf32>
    %reduce_min3A_89 = arith.constant dense<0x7F800000> : vector<256xf32>
    %reduce_min3A_90 = vector.multi_reduction <minimumf>, %sub3A_88, %reduce_min3A_89 [0] : vector<1024x256xf32> to vector<256xf32>
    %broadcast_in_dim3A_91 = vector.shape_cast %reduce_min3A_90 : vector<256xf32> to vector<1x256xf32>
    %iota3A_92 = tpu.iota {dimensions = array<i32: 0>} : vector<1024x256xi32>
    %add3A_93 = arith.constant 2048 : i32
    %add3A_94 = vector.broadcast %add3A_93 : i32 to vector<1024x256xi32>
    %add3A_95 = arith.addi %iota3A_92, %add3A_94 : vector<1024x256xi32>
    %eq3A_96 = vector.broadcast %broadcast_in_dim3A_91 : vector<1x256xf32> to vector<1024x256xf32>
    %eq3A_97 = arith.cmpf oeq, %sub3A_88, %eq3A_96 : vector<1024x256xf32>
    %jit3A_98 = arith.constant 8192 : i32
    %broadcast_in_dim3A_99 = vector.broadcast %jit3A_98 : i32 to vector<1024x256xi32>
    %select_n3A_100 = arith.select %eq3A_97, %add3A_95, %broadcast_in_dim3A_99 : vector<1024x256xi1>, vector<1024x256xi32>
    %reduce_min3A_101 = arith.constant dense<2147483647> : vector<256xi32>
    %reduce_min3A_102 = vector.multi_reduction <minsi>, %select_n3A_100, %reduce_min3A_101 [0] : vector<1024x256xi32> to vector<256xi32>
    %broadcast_in_dim3A_103 = vector.shape_cast %reduce_min3A_102 : vector<256xi32> to vector<1x256xi32>
    %lt3A_104 = arith.cmpf olt, %broadcast_in_dim3A_91, %select_n3A_70 : vector<1x256xf32>
    %select_n3A_105 = arith.select %lt3A_104, %broadcast_in_dim3A_103, %select_n3A_69 : vector<1x256xi1>, vector<1x256xi32>
    %select_n3A_106 = arith.select %lt3A_104, %broadcast_in_dim3A_91, %select_n3A_70 : vector<1x256xi1>, vector<1x256xf32>
    %get3A_107 = arith.constant 3072 : index
    %get3A_108 = arith.constant 0 : index
    %get3A_109 = vector.load %arg1[%get3A_107, %get3A_108] : memref<8192x32xf32, #tpu.memory_space<vmem>>, vector<1024x32xf32>
    %get3A_110 = arith.constant 0 : index
    %get3A_111 = arith.constant 0 : index
    %get3A_112 = arith.constant 3072 : index
    %get3A_113 = vector.load %arg4[%get3A_110, %get3A_111, %get3A_112] : memref<1x1x8192xf32, #tpu.memory_space<vmem>>, vector<1x1x1024xf32>
    %get3A_114 = vector.shape_cast %get3A_113 : vector<1x1x1024xf32> to vector<1024xf32>
    %dot_general3A_115 = arith.constant dense<0.000000e+00> : vector<1024x256xf32>
    %dot_general3A_116 = tpu.matmul %get3A_109, %get3A_1, %dot_general3A_115 {dimension_numbers = #tpu.dot_dimension_numbers<[1], [1], [0], [0], [0, 0, 1, 0], [], []>, transpose_lhs_hint = false} : vector<1024x32xf32>, vector<256x32xbf16>, vector<1024x256xf32> -> vector<1024x256xf32>
    %broadcast_in_dim3A_117 = vector.shape_cast %get3A_114 : vector<1024xf32> to vector<1024x1xf32>
    %add3A_118 = vector.broadcast %squeeze3A : vector<1x256xf32> to vector<1024x256xf32>
    %add3A_119 = vector.broadcast %broadcast_in_dim3A_117 : vector<1024x1xf32> to vector<1024x256xf32>
    %add3A_120 = arith.addf %add3A_118, %add3A_119 : vector<1024x256xf32>
    %mul3A_121 = arith.constant 2.000000e+00 : f32
    %mul3A_122 = vector.broadcast %mul3A_121 : f32 to vector<1024x256xf32>
    %mul3A_123 = arith.mulf %mul3A_122, %dot_general3A_116 : vector<1024x256xf32>
    %sub3A_124 = arith.subf %add3A_120, %mul3A_123 : vector<1024x256xf32>
    %reduce_min3A_125 = arith.constant dense<0x7F800000> : vector<256xf32>
    %reduce_min3A_126 = vector.multi_reduction <minimumf>, %sub3A_124, %reduce_min3A_125 [0] : vector<1024x256xf32> to vector<256xf32>
    %broadcast_in_dim3A_127 = vector.shape_cast %reduce_min3A_126 : vector<256xf32> to vector<1x256xf32>
    %iota3A_128 = tpu.iota {dimensions = array<i32: 0>} : vector<1024x256xi32>
    %add3A_129 = arith.constant 3072 : i32
    %add3A_130 = vector.broadcast %add3A_129 : i32 to vector<1024x256xi32>
    %add3A_131 = arith.addi %iota3A_128, %add3A_130 : vector<1024x256xi32>
    %eq3A_132 = vector.broadcast %broadcast_in_dim3A_127 : vector<1x256xf32> to vector<1024x256xf32>
    %eq3A_133 = arith.cmpf oeq, %sub3A_124, %eq3A_132 : vector<1024x256xf32>
    %jit3A_134 = arith.constant 8192 : i32
    %broadcast_in_dim3A_135 = vector.broadcast %jit3A_134 : i32 to vector<1024x256xi32>
    %select_n3A_136 = arith.select %eq3A_133, %add3A_131, %broadcast_in_dim3A_135 : vector<1024x256xi1>, vector<1024x256xi32>
    %reduce_min3A_137 = arith.constant dense<2147483647> : vector<256xi32>
    %reduce_min3A_138 = vector.multi_reduction <minsi>, %select_n3A_136, %reduce_min3A_137 [0] : vector<1024x256xi32> to vector<256xi32>
    %broadcast_in_dim3A_139 = vector.shape_cast %reduce_min3A_138 : vector<256xi32> to vector<1x256xi32>
    %lt3A_140 = arith.cmpf olt, %broadcast_in_dim3A_127, %select_n3A_106 : vector<1x256xf32>
    %select_n3A_141 = arith.select %lt3A_140, %broadcast_in_dim3A_139, %select_n3A_105 : vector<1x256xi1>, vector<1x256xi32>
    %select_n3A_142 = arith.select %lt3A_140, %broadcast_in_dim3A_127, %select_n3A_106 : vector<1x256xi1>, vector<1x256xf32>
    %broadcast_in_dim3A_143 = arith.constant 0x7F800000 : f32
    %broadcast_in_dim3A_144 = vector.broadcast %broadcast_in_dim3A_143 : f32 to vector<1x256xf32>
    %broadcast_in_dim3A_145 = arith.constant 0 : i32
    %broadcast_in_dim3A_146 = vector.broadcast %broadcast_in_dim3A_145 : i32 to vector<1x256xi32>
    %get3A_147 = arith.constant 4096 : index
    %get3A_148 = arith.constant 0 : index
    %get3A_149 = vector.load %arg1[%get3A_147, %get3A_148] : memref<8192x32xf32, #tpu.memory_space<vmem>>, vector<1024x32xf32>
    %get3A_150 = arith.constant 0 : index
    %get3A_151 = arith.constant 0 : index
    %get3A_152 = arith.constant 4096 : index
    %get3A_153 = vector.load %arg4[%get3A_150, %get3A_151, %get3A_152] : memref<1x1x8192xf32, #tpu.memory_space<vmem>>, vector<1x1x1024xf32>
    %get3A_154 = vector.shape_cast %get3A_153 : vector<1x1x1024xf32> to vector<1024xf32>
    %dot_general3A_155 = arith.constant dense<0.000000e+00> : vector<1024x256xf32>
    %dot_general3A_156 = tpu.matmul %get3A_149, %get3A_1, %dot_general3A_155 {dimension_numbers = #tpu.dot_dimension_numbers<[1], [1], [0], [0], [0, 0, 1, 0], [], []>, transpose_lhs_hint = false} : vector<1024x32xf32>, vector<256x32xbf16>, vector<1024x256xf32> -> vector<1024x256xf32>
    %broadcast_in_dim3A_157 = vector.shape_cast %get3A_154 : vector<1024xf32> to vector<1024x1xf32>
    %add3A_158 = vector.broadcast %squeeze3A : vector<1x256xf32> to vector<1024x256xf32>
    %add3A_159 = vector.broadcast %broadcast_in_dim3A_157 : vector<1024x1xf32> to vector<1024x256xf32>
    %add3A_160 = arith.addf %add3A_158, %add3A_159 : vector<1024x256xf32>
    %mul3A_161 = arith.constant 2.000000e+00 : f32
    %mul3A_162 = vector.broadcast %mul3A_161 : f32 to vector<1024x256xf32>
    %mul3A_163 = arith.mulf %mul3A_162, %dot_general3A_156 : vector<1024x256xf32>
    %sub3A_164 = arith.subf %add3A_160, %mul3A_163 : vector<1024x256xf32>
    %reduce_min3A_165 = arith.constant dense<0x7F800000> : vector<256xf32>
    %reduce_min3A_166 = vector.multi_reduction <minimumf>, %sub3A_164, %reduce_min3A_165 [0] : vector<1024x256xf32> to vector<256xf32>
    %broadcast_in_dim3A_167 = vector.shape_cast %reduce_min3A_166 : vector<256xf32> to vector<1x256xf32>
    %iota3A_168 = tpu.iota {dimensions = array<i32: 0>} : vector<1024x256xi32>
    %add3A_169 = arith.constant 4096 : i32
    %add3A_170 = vector.broadcast %add3A_169 : i32 to vector<1024x256xi32>
    %add3A_171 = arith.addi %iota3A_168, %add3A_170 : vector<1024x256xi32>
    %eq3A_172 = vector.broadcast %broadcast_in_dim3A_167 : vector<1x256xf32> to vector<1024x256xf32>
    %eq3A_173 = arith.cmpf oeq, %sub3A_164, %eq3A_172 : vector<1024x256xf32>
    %jit3A_174 = arith.constant 8192 : i32
    %broadcast_in_dim3A_175 = vector.broadcast %jit3A_174 : i32 to vector<1024x256xi32>
    %select_n3A_176 = arith.select %eq3A_173, %add3A_171, %broadcast_in_dim3A_175 : vector<1024x256xi1>, vector<1024x256xi32>
    %reduce_min3A_177 = arith.constant dense<2147483647> : vector<256xi32>
    %reduce_min3A_178 = vector.multi_reduction <minsi>, %select_n3A_176, %reduce_min3A_177 [0] : vector<1024x256xi32> to vector<256xi32>
    %broadcast_in_dim3A_179 = vector.shape_cast %reduce_min3A_178 : vector<256xi32> to vector<1x256xi32>
    %lt3A_180 = arith.cmpf olt, %broadcast_in_dim3A_167, %broadcast_in_dim3A_144 : vector<1x256xf32>
    %select_n3A_181 = arith.select %lt3A_180, %broadcast_in_dim3A_179, %broadcast_in_dim3A_146 : vector<1x256xi1>, vector<1x256xi32>
    %select_n3A_182 = arith.select %lt3A_180, %broadcast_in_dim3A_167, %broadcast_in_dim3A_144 : vector<1x256xi1>, vector<1x256xf32>
    %get3A_183 = arith.constant 5120 : index
    %get3A_184 = arith.constant 0 : index
    %get3A_185 = vector.load %arg1[%get3A_183, %get3A_184] : memref<8192x32xf32, #tpu.memory_space<vmem>>, vector<1024x32xf32>
    %get3A_186 = arith.constant 0 : index
    %get3A_187 = arith.constant 0 : index
    %get3A_188 = arith.constant 5120 : index
    %get3A_189 = vector.load %arg4[%get3A_186, %get3A_187, %get3A_188] : memref<1x1x8192xf32, #tpu.memory_space<vmem>>, vector<1x1x1024xf32>
    %get3A_190 = vector.shape_cast %get3A_189 : vector<1x1x1024xf32> to vector<1024xf32>
    %dot_general3A_191 = arith.constant dense<0.000000e+00> : vector<1024x256xf32>
    %dot_general3A_192 = tpu.matmul %get3A_185, %get3A_1, %dot_general3A_191 {dimension_numbers = #tpu.dot_dimension_numbers<[1], [1], [0], [0], [0, 0, 1, 0], [], []>, transpose_lhs_hint = false} : vector<1024x32xf32>, vector<256x32xbf16>, vector<1024x256xf32> -> vector<1024x256xf32>
    %broadcast_in_dim3A_193 = vector.shape_cast %get3A_190 : vector<1024xf32> to vector<1024x1xf32>
    %add3A_194 = vector.broadcast %squeeze3A : vector<1x256xf32> to vector<1024x256xf32>
    %add3A_195 = vector.broadcast %broadcast_in_dim3A_193 : vector<1024x1xf32> to vector<1024x256xf32>
    %add3A_196 = arith.addf %add3A_194, %add3A_195 : vector<1024x256xf32>
    %mul3A_197 = arith.constant 2.000000e+00 : f32
    %mul3A_198 = vector.broadcast %mul3A_197 : f32 to vector<1024x256xf32>
    %mul3A_199 = arith.mulf %mul3A_198, %dot_general3A_192 : vector<1024x256xf32>
    %sub3A_200 = arith.subf %add3A_196, %mul3A_199 : vector<1024x256xf32>
    %reduce_min3A_201 = arith.constant dense<0x7F800000> : vector<256xf32>
    %reduce_min3A_202 = vector.multi_reduction <minimumf>, %sub3A_200, %reduce_min3A_201 [0] : vector<1024x256xf32> to vector<256xf32>
    %broadcast_in_dim3A_203 = vector.shape_cast %reduce_min3A_202 : vector<256xf32> to vector<1x256xf32>
    %iota3A_204 = tpu.iota {dimensions = array<i32: 0>} : vector<1024x256xi32>
    %add3A_205 = arith.constant 5120 : i32
    %add3A_206 = vector.broadcast %add3A_205 : i32 to vector<1024x256xi32>
    %add3A_207 = arith.addi %iota3A_204, %add3A_206 : vector<1024x256xi32>
    %eq3A_208 = vector.broadcast %broadcast_in_dim3A_203 : vector<1x256xf32> to vector<1024x256xf32>
    %eq3A_209 = arith.cmpf oeq, %sub3A_200, %eq3A_208 : vector<1024x256xf32>
    %jit3A_210 = arith.constant 8192 : i32
    %broadcast_in_dim3A_211 = vector.broadcast %jit3A_210 : i32 to vector<1024x256xi32>
    %select_n3A_212 = arith.select %eq3A_209, %add3A_207, %broadcast_in_dim3A_211 : vector<1024x256xi1>, vector<1024x256xi32>
    %reduce_min3A_213 = arith.constant dense<2147483647> : vector<256xi32>
    %reduce_min3A_214 = vector.multi_reduction <minsi>, %select_n3A_212, %reduce_min3A_213 [0] : vector<1024x256xi32> to vector<256xi32>
    %broadcast_in_dim3A_215 = vector.shape_cast %reduce_min3A_214 : vector<256xi32> to vector<1x256xi32>
    %lt3A_216 = arith.cmpf olt, %broadcast_in_dim3A_203, %select_n3A_182 : vector<1x256xf32>
    %select_n3A_217 = arith.select %lt3A_216, %broadcast_in_dim3A_215, %select_n3A_181 : vector<1x256xi1>, vector<1x256xi32>
    %select_n3A_218 = arith.select %lt3A_216, %broadcast_in_dim3A_203, %select_n3A_182 : vector<1x256xi1>, vector<1x256xf32>
    %get3A_219 = arith.constant 6144 : index
    %get3A_220 = arith.constant 0 : index
    %get3A_221 = vector.load %arg1[%get3A_219, %get3A_220] : memref<8192x32xf32, #tpu.memory_space<vmem>>, vector<1024x32xf32>
    %get3A_222 = arith.constant 0 : index
    %get3A_223 = arith.constant 0 : index
    %get3A_224 = arith.constant 6144 : index
    %get3A_225 = vector.load %arg4[%get3A_222, %get3A_223, %get3A_224] : memref<1x1x8192xf32, #tpu.memory_space<vmem>>, vector<1x1x1024xf32>
    %get3A_226 = vector.shape_cast %get3A_225 : vector<1x1x1024xf32> to vector<1024xf32>
    %dot_general3A_227 = arith.constant dense<0.000000e+00> : vector<1024x256xf32>
    %dot_general3A_228 = tpu.matmul %get3A_221, %get3A_1, %dot_general3A_227 {dimension_numbers = #tpu.dot_dimension_numbers<[1], [1], [0], [0], [0, 0, 1, 0], [], []>, transpose_lhs_hint = false} : vector<1024x32xf32>, vector<256x32xbf16>, vector<1024x256xf32> -> vector<1024x256xf32>
    %broadcast_in_dim3A_229 = vector.shape_cast %get3A_226 : vector<1024xf32> to vector<1024x1xf32>
    %add3A_230 = vector.broadcast %squeeze3A : vector<1x256xf32> to vector<1024x256xf32>
    %add3A_231 = vector.broadcast %broadcast_in_dim3A_229 : vector<1024x1xf32> to vector<1024x256xf32>
    %add3A_232 = arith.addf %add3A_230, %add3A_231 : vector<1024x256xf32>
    %mul3A_233 = arith.constant 2.000000e+00 : f32
    %mul3A_234 = vector.broadcast %mul3A_233 : f32 to vector<1024x256xf32>
    %mul3A_235 = arith.mulf %mul3A_234, %dot_general3A_228 : vector<1024x256xf32>
    %sub3A_236 = arith.subf %add3A_232, %mul3A_235 : vector<1024x256xf32>
    %reduce_min3A_237 = arith.constant dense<0x7F800000> : vector<256xf32>
    %reduce_min3A_238 = vector.multi_reduction <minimumf>, %sub3A_236, %reduce_min3A_237 [0] : vector<1024x256xf32> to vector<256xf32>
    %broadcast_in_dim3A_239 = vector.shape_cast %reduce_min3A_238 : vector<256xf32> to vector<1x256xf32>
    %iota3A_240 = tpu.iota {dimensions = array<i32: 0>} : vector<1024x256xi32>
    %add3A_241 = arith.constant 6144 : i32
    %add3A_242 = vector.broadcast %add3A_241 : i32 to vector<1024x256xi32>
    %add3A_243 = arith.addi %iota3A_240, %add3A_242 : vector<1024x256xi32>
    %eq3A_244 = vector.broadcast %broadcast_in_dim3A_239 : vector<1x256xf32> to vector<1024x256xf32>
    %eq3A_245 = arith.cmpf oeq, %sub3A_236, %eq3A_244 : vector<1024x256xf32>
    %jit3A_246 = arith.constant 8192 : i32
    %broadcast_in_dim3A_247 = vector.broadcast %jit3A_246 : i32 to vector<1024x256xi32>
    %select_n3A_248 = arith.select %eq3A_245, %add3A_243, %broadcast_in_dim3A_247 : vector<1024x256xi1>, vector<1024x256xi32>
    %reduce_min3A_249 = arith.constant dense<2147483647> : vector<256xi32>
    %reduce_min3A_250 = vector.multi_reduction <minsi>, %select_n3A_248, %reduce_min3A_249 [0] : vector<1024x256xi32> to vector<256xi32>
    %broadcast_in_dim3A_251 = vector.shape_cast %reduce_min3A_250 : vector<256xi32> to vector<1x256xi32>
    %lt3A_252 = arith.cmpf olt, %broadcast_in_dim3A_239, %select_n3A_218 : vector<1x256xf32>
    %select_n3A_253 = arith.select %lt3A_252, %broadcast_in_dim3A_251, %select_n3A_217 : vector<1x256xi1>, vector<1x256xi32>
    %select_n3A_254 = arith.select %lt3A_252, %broadcast_in_dim3A_239, %select_n3A_218 : vector<1x256xi1>, vector<1x256xf32>
    %get3A_255 = arith.constant 7168 : index
    %get3A_256 = arith.constant 0 : index
    %get3A_257 = vector.load %arg1[%get3A_255, %get3A_256] : memref<8192x32xf32, #tpu.memory_space<vmem>>, vector<1024x32xf32>
    %get3A_258 = arith.constant 0 : index
    %get3A_259 = arith.constant 0 : index
    %get3A_260 = arith.constant 7168 : index
    %get3A_261 = vector.load %arg4[%get3A_258, %get3A_259, %get3A_260] : memref<1x1x8192xf32, #tpu.memory_space<vmem>>, vector<1x1x1024xf32>
    %get3A_262 = vector.shape_cast %get3A_261 : vector<1x1x1024xf32> to vector<1024xf32>
    %dot_general3A_263 = arith.constant dense<0.000000e+00> : vector<1024x256xf32>
    %dot_general3A_264 = tpu.matmul %get3A_257, %get3A_1, %dot_general3A_263 {dimension_numbers = #tpu.dot_dimension_numbers<[1], [1], [0], [0], [0, 0, 1, 0], [], []>, transpose_lhs_hint = false} : vector<1024x32xf32>, vector<256x32xbf16>, vector<1024x256xf32> -> vector<1024x256xf32>
    %broadcast_in_dim3A_265 = vector.shape_cast %get3A_262 : vector<1024xf32> to vector<1024x1xf32>
    %add3A_266 = vector.broadcast %squeeze3A : vector<1x256xf32> to vector<1024x256xf32>
    %add3A_267 = vector.broadcast %broadcast_in_dim3A_265 : vector<1024x1xf32> to vector<1024x256xf32>
    %add3A_268 = arith.addf %add3A_266, %add3A_267 : vector<1024x256xf32>
    %mul3A_269 = arith.constant 2.000000e+00 : f32
    %mul3A_270 = vector.broadcast %mul3A_269 : f32 to vector<1024x256xf32>
    %mul3A_271 = arith.mulf %mul3A_270, %dot_general3A_264 : vector<1024x256xf32>
    %sub3A_272 = arith.subf %add3A_268, %mul3A_271 : vector<1024x256xf32>
    %reduce_min3A_273 = arith.constant dense<0x7F800000> : vector<256xf32>
    %reduce_min3A_274 = vector.multi_reduction <minimumf>, %sub3A_272, %reduce_min3A_273 [0] : vector<1024x256xf32> to vector<256xf32>
    %broadcast_in_dim3A_275 = vector.shape_cast %reduce_min3A_274 : vector<256xf32> to vector<1x256xf32>
    %iota3A_276 = tpu.iota {dimensions = array<i32: 0>} : vector<1024x256xi32>
    %add3A_277 = arith.constant 7168 : i32
    %add3A_278 = vector.broadcast %add3A_277 : i32 to vector<1024x256xi32>
    %add3A_279 = arith.addi %iota3A_276, %add3A_278 : vector<1024x256xi32>
    %eq3A_280 = vector.broadcast %broadcast_in_dim3A_275 : vector<1x256xf32> to vector<1024x256xf32>
    %eq3A_281 = arith.cmpf oeq, %sub3A_272, %eq3A_280 : vector<1024x256xf32>
    %jit3A_282 = arith.constant 8192 : i32
    %broadcast_in_dim3A_283 = vector.broadcast %jit3A_282 : i32 to vector<1024x256xi32>
    %select_n3A_284 = arith.select %eq3A_281, %add3A_279, %broadcast_in_dim3A_283 : vector<1024x256xi1>, vector<1024x256xi32>
    %reduce_min3A_285 = arith.constant dense<2147483647> : vector<256xi32>
    %reduce_min3A_286 = vector.multi_reduction <minsi>, %select_n3A_284, %reduce_min3A_285 [0] : vector<1024x256xi32> to vector<256xi32>
    %broadcast_in_dim3A_287 = vector.shape_cast %reduce_min3A_286 : vector<256xi32> to vector<1x256xi32>
    %lt3A_288 = arith.cmpf olt, %broadcast_in_dim3A_275, %select_n3A_254 : vector<1x256xf32>
    %select_n3A_289 = arith.select %lt3A_288, %broadcast_in_dim3A_287, %select_n3A_253 : vector<1x256xi1>, vector<1x256xi32>
    %select_n3A_290 = arith.select %lt3A_288, %broadcast_in_dim3A_275, %select_n3A_254 : vector<1x256xi1>, vector<1x256xf32>
    %convert_element_type3A = arith.truncf %select_n3A_142 : vector<1x256xf32> to vector<1x256xbf16>
    %convert_element_type3A_291 = arith.extf %convert_element_type3A : vector<1x256xbf16> to vector<1x256xf32>
    %lt3A_292 = arith.cmpf olt, %select_n3A_290, %convert_element_type3A_291 : vector<1x256xf32>
    %select_n3A_293 = arith.select %lt3A_292, %select_n3A_289, %select_n3A_141 : vector<1x256xi1>, vector<1x256xi32>
    %reshape3A = vector.shape_cast %select_n3A_293 : vector<1x256xi32> to vector<1x1x256xi32>
    %swap3A = arith.constant 0 : index
    %swap3A_294 = arith.constant 0 : index
    %swap3A_295 = arith.constant 0 : index
    %swap3A_296 = vector.load %arg5[%swap3A, %swap3A_294, %swap3A_295] : memref<1x1x256xi32, #tpu.memory_space<vmem>>, vector<1x1x256xi32>
    tpu.vector_store %arg5[%swap3A, %swap3A_294, %swap3A_295], %reshape3A {strides = array<i32>} : memref<1x1x256xi32, #tpu.memory_space<vmem>>, vector<1x1x256xi32>,
    return
  }
  func.func @transform_0(%arg0: i32) -> (i32, i32) {
    %c0_i32 = arith.constant 0 : i32
    %c0_i32_0 = arith.constant 0 : i32
    %c0_i32_1 = arith.constant 0 : i32
    return %c0_i32, %c0_i32_0 : i32, i32
  }
  func.func @transform_1(%arg0: i32) -> (i32, i32) {
    %c0_i32 = arith.constant 0 : i32
    %c0_i32_0 = arith.constant 0 : i32
    return %arg0, %c0_i32 : i32, i32
  }
  func.func @transform_2(%arg0: i32) -> (i32, i32, i32) {
    %c0_i32 = arith.constant 0 : i32
    %c0_i32_0 = arith.constant 0 : i32
    %c0_i32_1 = arith.constant 0 : i32
    return %arg0, %c0_i32, %c0_i32_0 : i32, i32, i32
  }
  func.func @transform_3(%arg0: i32) -> (i32, i32, i32) {
    %c0_i32 = arith.constant 0 : i32
    %c0_i32_0 = arith.constant 0 : i32
    %c0_i32_1 = arith.constant 0 : i32
    %c0_i32_2 = arith.constant 0 : i32
    return %c0_i32, %c0_i32_0, %c0_i32_1 : i32, i32, i32
  }
  func.func @transform_4(%arg0: i32) -> (i32, i32, i32) {
    %c0_i32 = arith.constant 0 : i32
    %c0_i32_0 = arith.constant 0 : i32
    %c0_i32_1 = arith.constant 0 : i32
    return %arg0, %c0_i32, %c0_i32_0 : i32, i32, i32
  }
}

</mosaic_0001>

<sc_bundles>
// kernel: kernel.4.cloned.1.call-start
scs
__scs_entry_jumppad:
0x0: {  	(pc) =	sbr.rel $0x88, $3  }
0x1: {  	(tag) =	ssettag $0x0;
	lr =	simm.s32 $0x1  }
0x2: {  	[smem:$0x3F9F] =	sst lr;
	_ =	strace $0xD0000000  }
0x3: {  	_ = 	snop  }
0x4: {  	_ = 	snop  }
0x5: {  	_ = 	snop  }
0x6: {  	_ = 	snop  }
0x7: {  	_ = 	snop  }
__scs_overlays_trampoline_lowered:
0x8: {  	[smem:$0x3FAE] =	sst s0  }
0x9: {  	[smem:$0x3FAF] =	sst s1  }
0xa: {  	[smem:$0x3FB0] =	sst s2  }
0xb: {  	[smem:$0x3FB1] =	sst s3  }
0xc: {  	[smem:$0x3FB2] =	sst s4  }
0xd: {  	[smem:$0x3FB3] =	sst s5  }
0xe: {  	[smem:$0x3FB4] =	sst s6  }
0xf: {  	[smem:$0x3FB5] =	sst s7  }
0x10: {  	[smem:$0x3FB6] =	sst s8  }
0x11: {  	[smem:$0x3FB7] =	sst s9;
	s0 =	simm.s32 @!p0 $0x0  }
0x12: {  	s1 =	sld [smem:$0x3F9D];
	s0 =	simm.s32 @p0 $0x1  }
0x13: {  	[smem:$0x3FB8] =	sst s0;
	s0 =	simm.s32 @!p1 $0x0  }
0x14: {  	s2 =	sld [smem:$0x3F9C];
	s0 =	simm.s32 @p1 $0x1  }
0x15: {  	[smem:$0x3FB9] =	sst s0;
	s0 =	simm.s32 @!p2 $0x0  }
0x16: {  	s3 =	sld [smem:$0x3FDB];
	s0 =	simm.s32 @p2 $0x1  }
0x17: {  	s4 =	simm.s32 $0x1BF5;
	[smem:$0x3FBB] =	sst s0  }
0x18: {  	s0 =	sld [smem:$0x3F9E];
	_ =	swait.ge [sflag:s4], $0x0  }
0x19: {  	s7 =	sld [smem:$0x3F9F]  }
0x1a: {  	s8 =	sadd.s32 $0xFFFFE003, lr  }
0x1b: {  	s9 =	sadd.s32 $0xFFFFFEF7, lr;
	s5 =	simm.s32 $0xFFFFFFFF;
	p2 =	slt.u32 s8, $0xFFFFF086  }
0x1c: {  	p1 =	slt.u32 s9, $0xF7A;
	s5 =	simm.s32 @!p2 $0x0  }
0x1d: {  	s5 =	simm.s32 @p1 $0x1;
	p0 =	seq.s32 s7, s2  }
0x1e: {  	s7 =	smul.u32 @!p0 $0xF7A, s2;
	p2 =	seq.s32 @!p0 s5, $0x0  }
0x1f: {  	s9 =	smul.u32 $0xF7A, s1;
	s8 =	simm.s32 @!p0 $0x1BF5;
	p2 =	por !p2, p0  }
0x20: {  	[sflag:s8] =	ssyncset.s32 @!p0 $0xFFFFF086;
	s6 =	sadd.s32 @!p0 s3, s7;
	s7 =	simm.s32 @!p0 $0x108  }
0x21: {  	s3 =	sadd.s32 s3, s9;
	s6 =	sadd.s32 @!p0 $0x88, s6;
	s7 =	simm.s32 @p2 $0x1082  }
0x22: {  	[simem:s7], [sflag:s8] =	dma.local @!p0 [hbm:s6], $0xF7A  }
0x23: {  	s9 =	sor.u32 $0xD0000000, s2;
	s6 =	simm.s32 $0x108;
	_ =	swait.ge @!p0 [sflag:s8], $0x0  }
0x24: {  	s3 =	sadd.s32 $0x88, s3;
	s6 =	simm.s32 @!p1 $0x1082;
	[sflag:s4] =	ssyncset.s32 $0xFFFFF086  }
0x25: {  	[simem:s6], [sflag:s4] =	dma.local [hbm:s3], $0xF7A  }
0x26: {  	[smem:$0x3F9F] =	sst s1;
	(tag) =	ssettag s2;
	_ =	strace s9  }
0x27: {  	s1 =	sld [smem:$0x3FAF]  }
0x28: {  	s2 =	sld [smem:$0x3FB0]  }
0x29: {  	s4 =	sld [smem:$0x3FB2]  }
0x2a: {  	p0 =	seq.s32 s5, $0x0;
	s5 =	sld [smem:$0x3FB3]  }
0x2b: {  	s6 =	sld [smem:$0x3FB4]  }
0x2c: {  	s7 =	sld [smem:$0x3FB5]  }
0x2d: {  	s3 =	simm.s32 $0x108;
	s8 =	sld [smem:$0x3FB6]  }
0x2e: {  	s3 =	simm.s32 @!p0 $0x1082;
	s9 =	sld [smem:$0x3FB7]  }
0x2f: {  	lr =	sadd.s32 s0, s3;
	s0 =	sld [smem:$0x3FAE]  }
0x30: {  	s3 =	sld [smem:$0x3FB1]  }
0x31: {  	[smem:$0x3FBA] =	sst s10  }
0x32: {  	s10 =	sld [smem:$0x3FB8];
	_ =	sdelay $0x3  }
0x33: {  	p0 =	seq.s32 s10, $0x1;
	s10 =	sld [smem:$0x3FBA];
	_ =	sdelay $0x3  }
0x34: {  	[smem:$0x3FBA] =	sst s10  }
0x35: {  	s10 =	sld [smem:$0x3FB9];
	_ =	sdelay $0x3  }
0x36: {  	p1 =	seq.s32 s10, $0x1;
	s10 =	sld [smem:$0x3FBA];
	_ =	sdelay $0x3  }
0x37: {  	[smem:$0x3FBA] =	sst s10  }
0x38: {  	s10 =	sld [smem:$0x3FBB]  }
0x39: {  	_ = 	snop;
	(pc) =	sbr.ind lr, $3  }
0x3a: {  	_ = 	snop  }
0x3b: {  	_ = 	snop  }
0x3c: {  	p2 =	seq.s32 s10, $0x1;
	s10 =	sld [smem:$0x3FBA]  }
0x3d: {  	_ =	shalt  }
0x3e: {  	_ =	shalt  }
0x3f: {  	_ =	shalt  }
0x40: {  	_ =	shalt  }
0x41: {  	_ =	shalt  }
0x42: {  	_ =	shalt  }
0x43: {  	_ =	shalt  }
0x44: {  	_ =	shalt  }
0x45: {  	_ =	shalt  }
0x46: {  	_ =	shalt  }
0x47: {  	_ =	shalt  }
0x48: {  	_ =	shalt  }
0x49: {  	_ =	shalt  }
0x4a: {  	_ =	shalt  }
0x4b: {  	_ =	shalt  }
0x4c: {  	_ =	shalt  }
0x4d: {  	_ =	shalt  }
0x4e: {  	_ =	shalt  }
0x4f: {  	_ =	shalt  }
0x50: {  	_ =	shalt  }
0x51: {  	_ =	shalt  }
0x52: {  	_ =	shalt  }
0x53: {  	_ =	shalt  }
0x54: {  	_ =	shalt  }
0x55: {  	_ =	shalt  }
0x56: {  	_ =	shalt  }
0x57: {  	_ =	shalt  }
0x58: {  	_ =	shalt  }
0x59: {  	_ =	shalt  }
0x5a: {  	_ =	shalt  }
0x5b: {  	_ =	shalt  }
0x5c: {  	_ =	shalt  }
0x5d: {  	_ =	shalt  }
0x5e: {  	_ =	shalt  }
0x5f: {  	_ =	shalt  }
0x60: {  	_ =	shalt  }
0x61: {  	_ =	shalt  }
0x62: {  	_ =	shalt  }
0x63: {  	_ =	shalt  }
0x64: {  	_ =	shalt  }
0x65: {  	_ =	shalt  }
0x66: {  	_ =	shalt  }
0x67: {  	_ =	shalt  }
0x68: {  	_ =	shalt  }
0x69: {  	_ =	shalt  }
0x6a: {  	_ =	shalt  }
0x6b: {  	_ =	shalt  }
0x6c: {  	_ =	shalt  }
0x6d: {  	_ =	shalt  }
0x6e: {  	_ =	shalt  }
0x6f: {  	_ =	shalt  }
0x70: {  	_ =	shalt  }
0x71: {  	_ =	shalt  }
0x72: {  	_ =	shalt  }
0x73: {  	_ =	shalt  }
0x74: {  	_ =	shalt  }
0x75: {  	_ =	shalt  }
0x76: {  	_ =	shalt  }
0x77: {  	_ =	shalt  }
0x78: {  	_ =	shalt  }
0x79: {  	_ =	shalt  }
0x7a: {  	_ =	shalt  }
0x7b: {  	_ =	shalt  }
0x7c: {  	_ =	shalt  }
0x7d: {  	_ =	shalt  }
0x7e: {  	_ =	shalt  }
0x7f: {  	_ =	shalt  }
0x80: {  	_ =	shalt  }
0x81: {  	_ =	shalt  }
0x82: {  	_ =	shalt  }
0x83: {  	_ =	shalt  }
0x84: {  	_ =	shalt  }
0x85: {  	_ =	shalt  }
0x86: {  	_ =	shalt  }
0x87: {  	_ =	shalt  }
.Lfunc_end0:
.L_simem_size_0:
called_computation_lowered:
.L_overlay_start_0:
0x88: {  	s2 =	sld [smem:$0x3FD9]  }
0x89: {  	s3 =	sld [smem:$0x3FFE];
	_ =	sdelay $0x1  }
0x8a: {  	s1 =	srdreg.scid  }
0x8b: {  	s0 =	sand.u32 $0x1, s1  }
0x8c: {  	s14 =	sshll.u32 s0, $0xA;
	s2 =	sadd.s32 s3, s2  }
0x8d: {  	s2 =	sadd.s32 s2, s14  }
0x8e: {  	[smem:$0x3FC6] =	sst s2  }
0x8f: {  	_ = 	snop  }
0x90: {  	s2 =	sld [smem:$0x3FD0];
	_ =	sdelay $0x2  }
0x91: {  	s15 =	simm.s32 $0xA;
	s4 =	simm.s32 $0x10  }
0x92: {  	[smem:s4], [sflag:s15] =	dma.local [hbm:s2], $0x1  }
0x93: {  	_ =	swait.eq [sflag:s15], $0x1  }
0x94: {  	[sflag:s15] =	ssyncset.done $0x0  }
0x95: {  	s16 =	sld [smem:$0x10];
	[sflag:s15] =	ssyncadd.s32 $0xFFFFFFFF  }
0x96: {  	s17 =	sld [smem:$0x12];
	(tm) =	ssettm $0x1  }
0x97: {  	s18 =	sld [smem:$0x3FFB];
	_ =	sdelay $0x3  }
0x98: {  	_ =	strace s18  }
0x99: {  	s4 =	sld [smem:$0x3FFC];
	_ =	sdelay $0x3  }
0x9a: {  	_ =	strace s4  }
0x9b: {  	s4 =	sld [smem:$0x3FFD];
	_ =	sdelay $0x3  }
0x9c: {  	_ =	strace s4  }
0x9d: {  	_ =	strace $0x8FFFFFFF  }
0x9e: {  	s19 =	sld [smem:$0x3FDB];
	_ =	sdelay $0x1  }
0x9f: {  	s5 =	simm.s32 $_scs_section_size  }
0xa0: {  	s6 =	simm.s32 $_size__tile_overlayer_lowered;
	s7 =	simm.s32 $_tile_overlayer_lowered  }
0xa1: {  	s22 =	simm.s32 $0x1BFF;
	s21 =	sshll.u32 s7, $0x1;
	s4 =	sadd.s32 s5, s19  }
0xa2: {  	s8 =	simm.s32 $0x0;
	s20 =	sshll.u32 s6, $0x1;
	s6 =	sadd.s32 s21, s4  }
0xa3: {  	[timem:s8], [sflag:s22] =	dma.local [hbm:s6], s20  }
0xa4: {  	_ =	swait.ge [sflag:s22], s20  }
0xa5: {  	s5 =	ssub.s32 $0x0, s20;
	[sflag:s22] =	ssyncset.done $0x0  }
0xa6: {  	[sflag:s22] =	ssyncadd.s32 s5;
	_ =	sdelay $0x1  }
0xa7: {  	s23 =	simm.s32 $0x1B8B  }
0xa8: {  	_ =	swait.ge [sflag:s23], $0x1  }
0xa9: {  	[sflag:s23] =	ssyncset.done $0x0  }
0xaa: {  	s25 =	simm.s32 $0x1B8E;
	s24 =	sld [smem:$0x3FFE];
	[sflag:s23] =	ssyncadd.s32 $0xFFFFFFFF  }
0xab: {  	s26 =	simm.s32 $execute0_lowered;
	[smem:$0x3FD2] =	sst s25  }
0xac: {  	s6 =	sshll.u32 s26, $0x1;
	_ =	strace $0x80000046;
	[dreg:$0x1] =	wrdreg $0xFFFFFFFF  }
0xad: {  	s28 =	simm.s32 $_size_execute0_lowered;
	s4 =	sadd.s32 s4, s6;
	[dreg:$0x0] =	wrdreg $0x0  }
0xae: {  	s6 =	sshll.u32 s28, $0x1;
	[dreg:$0x2] =	wrdreg s4  }
0xaf: {  	[dreg:$0x3] =	wrdreg s6  }
0xb0: {  	[dreg:$0x4] =	wrdreg $0xC0  }
0xb1: {  	_ =	task [dreg:s8], $0x5FFFF  }
0xb2: {  	[dreg:$0x1] =	wrdreg $0xFFFFFFFF  }
0xb3: {  	[dreg:$0x0] =	wrdreg $0x60  }
0xb4: {  	[dreg:$0x2] =	wrdreg s17  }
0xb5: {  	[dreg:$0x3] =	wrdreg s24  }
0xb6: {  	[dreg:$0x4] =	wrdreg s16  }
0xb7: {  	[dreg:$0x5] =	wrdreg $0x9  }
0xb8: {  	_ =	task.clear_ibuf [dreg:s8], $0x6FFFF;
	_ =	strace $0x90000046  }
0xb9: {  	s29 =	simm.s32 $0x9;
	_ =	strace $0x80000048  }
0xba: {  	_ =	swait.ge [sflag:s29], $0x1  }
0xbb: {  	[sflag:s29] =	ssyncadd.s32 $0xFFFFFFFF  }
0xbc: {  	_ =	strace $0x90000048  }
0xbd: {  	_ =	sfence  }
0xbe: {  	s30 =	sld [smem:$0x0];
	_ =	sdelay $0x2  }
0xbf: {  	s31 =	sshll.u32 s1, $0xD;
	s1 =	sshrl.u32 s1, $0x2  }
0xc0: {  	s3 =	sand.u32 $0x4000, s31;
	s1 =	sadd.s32 s1, s30  }
0xc1: {  	s0 =	sor.u32 s3, s0;
	s1 =	sshll.u32 s1, $0x11  }
0xc2: {  	s0 =	sor.u32 s1, s0  }
0xc3: {  	s0 =	sadd.s32 $0x8F2B, s0  }
0xc4: {  	[sflag:s0] =	ssyncadd.remote.s32 $0x1  }
0xc5: {  	_ =	sfence.sel $0xFFFF  }
0xc6: {  	[dreg:$0x0] =	wrdreg $0xFFFFFFFF;
	(pc) =	sbr.abs _section_cstart, $3  }
0xc7: {  	[dreg:$0x1] =	wrdreg $0xFFFFFFFF  }
0xc8: {  	_ =	task.clear_ibuf [dreg:s8], $0x2FFFF;
	_ =	strace $0x9FFFFFFF  }
0xc9: {  	(tm) =	ssettm $0x7FFFFFFF  }
tec
execute0_lowered:
.L_overlay_start_1:
0x0: {  	(tag) =	ssettag $0x1  }
0x1: {  	s1 =	rddreg [dreg:$0x0];
	s2 =	srdreg.scid  }
0x2: {  	s4 =	rddreg [dreg:$0x1];
	s0 =	stileid.u32;
	s17 =	sand.u32 $0x1, s2  }
0x3: {  	s18 =	rddreg [dreg:$0x2];
	s5 =	sshll.u32 s0, $0xA;
	s6 =	sshll.u32 s17, $0x9  }
0x4: {  	s3 =	simm.s32 $0x0;
	s2 =	rddreg [dreg:$0x3];
	s19 =	sor.u32 s6, s5  }
0x5: {  	[smem:$0x7FF] =	sst s3;
	s5 =	sshrl.u32 s19, $0x3  }
0x6: {  	_ =	strace $0x80000047;
	s5 =	sadd.s32 s4, s5;
	s4 =	simm.s32 $0x2  }
0x7: {  	[tilespmem:s3], [sflag:$0x2] =	stream.linear.gather [hbm4b:s5+s3], $0x80, $0x38;
	[tilespmem:$0x4200] =	vst v63  }
0x8: {  	_ =	swait.ge [sflag:s4], $0x80  }
0x9: {  	[sflag:s4] =	ssyncset.done $0x0  }
0xa: {  	s7 =	simm.s32 $0x80;
	s6 =	sadd.s32 $0x10, s5;
	[sflag:s4] =	ssyncadd.s32 $0xFFFFFF80  }
0xb: {  	[tilespmem:s7], [sflag:$0x2] =	stream.linear.gather [hbm4b:s6+s3], $0x80, $0x38;
	[tilespmem:$0x4200] =	vst v63  }
0xc: {  	_ =	swait.ge [sflag:s4], $0x80  }
0xd: {  	[sflag:s4] =	ssyncset.done $0x0  }
0xe: {  	s9 =	simm.s32 $0x100;
	s8 =	sadd.s32 $0x20, s5;
	[sflag:s4] =	ssyncadd.s32 $0xFFFFFF80  }
0xf: {  	[tilespmem:s9], [sflag:$0x2] =	stream.linear.gather [hbm4b:s8+s3], $0x80, $0x38;
	[tilespmem:$0x4200] =	vst v63  }
0x10: {  	_ =	swait.ge [sflag:s4], $0x80  }
0x11: {  	[sflag:s4] =	ssyncset.done $0x0  }
0x12: {  	s11 =	simm.s32 $0x180;
	s10 =	sadd.s32 $0x30, s5;
	[sflag:s4] =	ssyncadd.s32 $0xFFFFFF80  }
0x13: {  	[tilespmem:s11], [sflag:$0x2] =	stream.linear.gather [hbm4b:s10+s3], $0x80, $0x38;
	[tilespmem:$0x4200] =	vst v63  }
0x14: {  	_ =	swait.ge [sflag:s4], $0x80  }
0x15: {  	[sflag:s4] =	ssyncset.done $0x0  }
0x16: {  	s12 =	simm.s32 $0x200;
	[sflag:s4] =	ssyncadd.s32 $0xFFFFFF80  }
0x17: {  	[tilespmem:s12], [sflag:$0x1] =	stream.indirect.gather [hbm4b:s1+s7], $0x20, s3, s7, $0xb8;
	[tilespmem:$0x4200] =	vst v63  }
0x18: {  	s13 =	simm.s32 $0x1200  }
0x19: {  	[tilespmem:s13], [sflag:$0x1] =	stream.indirect.gather [hbm4b:s1+s7], $0x20, s7, s7, $0xb8;
	[tilespmem:$0x4200] =	vst v63  }
0x1a: {  	s14 =	simm.s32 $0x2200  }
0x1b: {  	[tilespmem:s14], [sflag:$0x1] =	stream.indirect.gather [hbm4b:s1+s7], $0x20, s9, s7, $0xb8;
	[tilespmem:$0x4200] =	vst v63  }
0x1c: {  	s15 =	simm.s32 $0x3200;
	s16 =	simm.s32 $0x1  }
0x1d: {  	[tilespmem:s15], [sflag:$0x1] =	stream.indirect.gather [hbm4b:s1+s7], $0x20, s11, s7, $0xb8;
	[tilespmem:$0x4200] =	vst v63  }
0x1e: {  	_ =	swait.ge [sflag:s16], $0x1000  }
0x1f: {  	[sflag:s16] =	ssyncset.done $0x0  }
0x20: {  	[sflag:s16] =	ssyncadd.s32 $0xFFFFF000  }
0x21: {  	_ =	swait.ge [sflag:s16], $0x1000  }
0x22: {  	[sflag:s16] =	ssyncset.done $0x0  }
0x23: {  	s17 =	ssub.s32 $0x2, s17;
	[sflag:s16] =	ssyncadd.s32 $0xFFFFF000  }
0x24: {  	s20 =	sshrl.u32 s17, $0x1;
	_ =	swait.ge [sflag:s16], $0x1000  }
0x25: {  	s20 =	ssub.s32 s17, s20;
	[sflag:s16] =	ssyncset.done $0x0  }
0x26: {  	s31 =	smax.u32 s20, $0x1;
	[sflag:s16] =	ssyncadd.s32 $0xFFFFF000  }
0x27: {  	p0 =	sne.s32 s31, $0x1;
	_ =	swait.ge [sflag:s16], $0x1000  }
.Ltmp0:
0x28: {  	s30 =	sshll.u32 s19, $0x2;
	[sflag:s16] =	ssyncset.done $0x0;
	(pc) =	sbr.rel @!p0 .LBB2_2-.Ltmp0, $4  }
0x29: {  	s17 =	sadd.s32 s18, s30;
	[sflag:s16] =	ssyncadd.s32 $0xFFFFF000  }
0x2a: {  	[hbm4b:s17+s3] =	stream.linear.scatter [tilespmem:s12], [sflag:$0x2], $0x4000, $0x38;
	[tilespmem:$0x4200] =	vst v63  }
0x2b: {  	_ =	swait.ge [sflag:s4], $0x4000  }
0x2c: {  	s18 =	sadd.s32 $0xFFFFFFFF, s31;
	[sflag:s4] =	ssyncset.done $0x0  }
.LBB2_1:
0x2d: {  	p0 =	sne.s32 s18, $0x1;
	s18 =	sadd.s32 $0xFFFFFFFF, s18;
	[sflag:s4] =	ssyncadd.s32 $0xFFFFC000  }
0x2e: {  	[tilespmem:s3], [sflag:$0x2] =	stream.linear.gather [hbm4b:s5+s3], $0x80, $0x38;
	[tilespmem:$0x4200] =	vst v63  }
0x2f: {  	_ =	swait.ge [sflag:s4], $0x80  }
0x30: {  	[sflag:s4] =	ssyncset.done $0x0  }
0x31: {  	[sflag:s4] =	ssyncadd.s32 $0xFFFFFF80  }
0x32: {  	[tilespmem:s7], [sflag:$0x2] =	stream.linear.gather [hbm4b:s6+s3], $0x80, $0x38;
	[tilespmem:$0x4200] =	vst v63  }
0x33: {  	_ =	swait.ge [sflag:s4], $0x80  }
0x34: {  	[sflag:s4] =	ssyncset.done $0x0  }
0x35: {  	[sflag:s4] =	ssyncadd.s32 $0xFFFFFF80  }
0x36: {  	[tilespmem:s9], [sflag:$0x2] =	stream.linear.gather [hbm4b:s8+s3], $0x80, $0x38;
	[tilespmem:$0x4200] =	vst v63  }
0x37: {  	_ =	swait.ge [sflag:s4], $0x80  }
0x38: {  	[sflag:s4] =	ssyncset.done $0x0  }
0x39: {  	[sflag:s4] =	ssyncadd.s32 $0xFFFFFF80  }
0x3a: {  	[tilespmem:s11], [sflag:$0x2] =	stream.linear.gather [hbm4b:s10+s3], $0x80, $0x38;
	[tilespmem:$0x4200] =	vst v63  }
0x3b: {  	_ =	swait.ge [sflag:s4], $0x80  }
0x3c: {  	[sflag:s4] =	ssyncset.done $0x0  }
0x3d: {  	[sflag:s4] =	ssyncadd.s32 $0xFFFFFF80  }
0x3e: {  	[tilespmem:s12], [sflag:$0x1] =	stream.indirect.gather [hbm4b:s1+s7], $0x20, s3, s7, $0xb8;
	[tilespmem:$0x4200] =	vst v63  }
0x3f: {  	_ = 	snop  }
0x40: {  	[tilespmem:s13], [sflag:$0x1] =	stream.indirect.gather [hbm4b:s1+s7], $0x20, s7, s7, $0xb8;
	[tilespmem:$0x4200] =	vst v63  }
0x41: {  	_ = 	snop  }
0x42: {  	[tilespmem:s14], [sflag:$0x1] =	stream.indirect.gather [hbm4b:s1+s7], $0x20, s9, s7, $0xb8;
	[tilespmem:$0x4200] =	vst v63  }
0x43: {  	_ = 	snop  }
0x44: {  	[tilespmem:s15], [sflag:$0x1] =	stream.indirect.gather [hbm4b:s1+s7], $0x20, s11, s7, $0xb8;
	[tilespmem:$0x4200] =	vst v63  }
0x45: {  	_ =	swait.ge [sflag:s16], $0x1000  }
0x46: {  	[sflag:s16] =	ssyncset.done $0x0  }
0x47: {  	[sflag:s16] =	ssyncadd.s32 $0xFFFFF000  }
0x48: {  	_ =	swait.ge [sflag:s16], $0x1000  }
0x49: {  	[sflag:s16] =	ssyncset.done $0x0  }
0x4a: {  	[sflag:s16] =	ssyncadd.s32 $0xFFFFF000  }
0x4b: {  	_ =	swait.ge [sflag:s16], $0x1000  }
0x4c: {  	[sflag:s16] =	ssyncset.done $0x0  }
0x4d: {  	[sflag:s16] =	ssyncadd.s32 $0xFFFFF000  }
0x4e: {  	_ =	swait.ge [sflag:s16], $0x1000  }
.Ltmp1:
0x4f: {  	[sflag:s16] =	ssyncset.done $0x0;
	(pc) =	sbr.rel @p0 .LBB2_1-.Ltmp1, $4  }
0x50: {  	[sflag:s16] =	ssyncadd.s32 $0xFFFFF000  }
0x51: {  	[hbm4b:s17+s3] =	stream.linear.scatter [tilespmem:s12], [sflag:$0x2], $0x4000, $0x38;
	[tilespmem:$0x4200] =	vst v63  }
0x52: {  	_ =	swait.ge [sflag:s4], $0x4000  }
0x53: {  	[sflag:s4] =	ssyncset.done $0x0  }
.LBB2_2:
0x54: {  	[sflag:s4] =	ssyncadd.s32 $0xFFFFC000  }
0x55: {  	_ =	sfence.sel $0x180000  }
0x56: {  	[bflag:$0x0] =	sbarrier.arrive $0xFFFF  }
0x57: {  	p0 =	sne.s32 s0, $0x0;
	_ =	strace $0x90000047  }
0x58: {  	s0 =	sadd.s32 @!p0 $0x100000, s2;
	[bflag:$0x2] =	sbarrier.arrive $0xFFFF  }
0x59: {  	[sflag:s0] =	ssyncadd.tile.s32 @!p0 $0x1;
	_ =	shalt  }
.Lfunc_end2:
_tile_overlayer_lowered:
.L_overlay_start_2:
0x5a: {  	(tag) =	ssettag $0x2  }
0x5b: {  	s0 =	rddreg [dreg:$0x0];
	s2 =	stileid.u32  }
0x5c: {  	s1 =	rddreg [dreg:$0x1];
	p0 =	sne.s32 s2, $0x0  }
0x5d: {  	s3 =	rddreg [dreg:$0x2];
	[bflag:$0x3] =	sbarrier.arrive $0xFFFF;
	s2 =	simm.s32 @!p0 $0x1C02  }
0x5e: {  	[timem:s3], [sflag:s2] =	dma.local @!p0 [hbm:s0], s1  }
0x5f: {  	s0 =	simm.s32 @!p0 $0x2  }
0x60: {  	_ =	swait.ge @!p0 [sflag:s0], s1  }
0x61: {  	s1 =	ssub.s32 @!p0 $0x0, s1;
	[sflag:s0] =	ssyncset.done @!p0 $0x0  }
0x62: {  	[sflag:s0] =	ssyncadd.s32 @!p0 s1  }
0x63: {  	[bflag:$0x3] =	sbarrier.arrive $0xFFFF  }
0x64: {  	_ =	shalt  }

</sc_bundles>
